<compile_context>
chip_gen: v7x
topology: tpu7x:2x2x1
jax: 0.10.2.dev20260603
libtpu: 0.0.44.dev20260713+nightly
codegen_flags: <defaults>
</compile_context>

<pallas_src>
import functools

import jax
import jax.numpy as jnp
from jax import lax
from jax.experimental import pallas as pl
from jax.experimental.pallas import tpu as pltpu
from jax.experimental.pallas import tpu_sc as plsc

NUM_EMBEDDINGS = 1000000
D = 64
B = 4096
H = 200
EPS = 1e-5

NC, NS = 2, 16
NW = NC * NS
B_W = B // NW
NB = 2
CHUNK = NB * H
IW = 80
IR = CHUNK // IW
XR_W = B_W * H // IW
N_CHUNKS = B_W // NB
NH = N_CHUNKS // 2
GROUPS = CHUNK // 16


def _rsqrt(x):
    i = lax.bitcast_convert_type(x, jnp.int32)
    i = jnp.int32(0x5F3759DF) - lax.shift_right_logical(i, 1)
    y = lax.bitcast_convert_type(i, jnp.float32)
    for _ in range(3):
        y = y * (1.5 - 0.5 * x * y * y)
    return y


def _body(x_hbm, table_hbm, gamma_hbm, beta_hbm, out_hbm,
          idx0, idx1, rows0, rows1, outb0, outb1, gb_v,
          isem0, isem1, gsem0, gsem1, osem0, osem1):
    wid = lax.axis_index("s") * NC + lax.axis_index("c")
    b_base = wid * B_W
    xr_base = wid * XR_W

    pltpu.sync_copy(gamma_hbm, gb_v.at[0])
    pltpu.sync_copy(beta_hbm, gb_v.at[1])
    gam = [gb_v[0, pl.ds(16 * k, 16)] for k in range(4)]
    bet = [gb_v[1, pl.ds(16 * k, 16)] for k in range(4)]
    lanes = lax.iota(jnp.int32, 16)

    def fire_idx(c, idx_c, sem):
        pltpu.async_copy(x_hbm.at[pl.ds(xr_base + c * IR, IR)], idx_c, sem)

    def drain_idx(idx_c, sem):
        pltpu.make_async_copy(x_hbm.at[pl.ds(xr_base, IR)], idx_c, sem).wait()

    def fire_gather(idx_c, rows, sem):
        for r in range(IR):
            pltpu.async_copy(
                table_hbm.at[idx_c.at[r]],
                rows.at[pl.ds(r * IW, IW)],
                sem,
            )

    def drain_gather(rows, sem):
        pltpu.make_async_copy(table_hbm.at[pl.ds(0, CHUNK)], rows, sem).wait()

    def fire_out(outv, c, sem):
        pltpu.async_copy(outv, out_hbm.at[pl.ds(b_base + c * NB, NB)], sem)

    def drain_out(outv, sem):
        pltpu.make_async_copy(outv, out_hbm.at[pl.ds(b_base, NB)], sem).wait()

    def compute(rows_v, outv):
        @functools.partial(plsc.parallel_loop, 0, GROUPS)
        def _(grp):
            row_ids = grp * 16 + lanes
            d0 = jnp.where(row_ids >= H, 1, 0).astype(jnp.int32)
            d1 = row_ids - d0 * H
            s = [jnp.zeros((16,), jnp.float32) for _ in range(4)]
            q = [jnp.zeros((16,), jnp.float32) for _ in range(4)]
            for j in range(D):
                col = jnp.full((16,), j, jnp.int32)
                g = plsc.load_gather(rows_v, [row_ids, col])
                s[j % 4] = s[j % 4] + g
                q[j % 4] = q[j % 4] + g * g
            stot = (s[0] + s[1]) + (s[2] + s[3])
            qtot = (q[0] + q[1]) + (q[2] + q[3])
            mean = stot * (1.0 / D)
            var = qtot * (1.0 / D) - mean * mean
            inv = _rsqrt(var + EPS)
            for j in range(D):
                col = jnp.full((16,), j, jnp.int32)
                idxj = jnp.full((16,), j % 16, jnp.int32)
                g = plsc.load_gather(rows_v, [row_ids, col])
                gj = jnp.take_along_axis(gam[j // 16], idxj, axis=0)
                bj = jnp.take_along_axis(bet[j // 16], idxj, axis=0)
                o = (g - mean) * inv * gj + bj
                plsc.store_scatter(outv, [d0, d1, col], o)

    fire_idx(0, idx0, isem0)
    fire_idx(1, idx1, isem1)
    drain_idx(idx0, isem0)
    fire_gather(idx0, rows0, gsem0)

    def body2(c2, _):
        c0 = 2 * c2
        c1 = c0 + 1
        drain_gather(rows0, gsem0)
        drain_idx(idx1, isem1)
        fire_gather(idx1, rows1, gsem1)

        @pl.when(c2 < NH - 1)
        def _():
            fire_idx(c0 + 2, idx0, isem0)

        @pl.when(c2 > 0)
        def _():
            drain_out(outb0, osem0)

        compute(rows0, outb0)
        fire_out(outb0, c0, osem0)

        drain_gather(rows1, gsem1)

        @pl.when(c2 < NH - 1)
        def _():
            drain_idx(idx0, isem0)
            fire_gather(idx0, rows0, gsem0)
            fire_idx(c1 + 2, idx1, isem1)

        @pl.when(c2 > 0)
        def _():
            drain_out(outb1, osem1)

        compute(rows1, outb1)
        fire_out(outb1, c1, osem1)
        return None

    lax.fori_loop(0, NH, body2, None)
    drain_out(outb0, osem0)
    drain_out(outb1, osem1)


def _run_impl(x2d, table, gamma, beta):
    mesh = plsc.VectorSubcoreMesh(core_axis_name="c", subcore_axis_name="s")
    kern = pl.kernel(
        _body,
        out_type=jax.ShapeDtypeStruct((B, H, D), jnp.float32),
        mesh=mesh,
        scratch_types=[
            pltpu.VMEM((IR, IW), jnp.int32),
            pltpu.VMEM((IR, IW), jnp.int32),
            pltpu.VMEM((CHUNK, D), jnp.float32),
            pltpu.VMEM((CHUNK, D), jnp.float32),
            pltpu.VMEM((NB, H, D), jnp.float32),
            pltpu.VMEM((NB, H, D), jnp.float32),
            pltpu.VMEM((2, D), jnp.float32),
            pltpu.SemaphoreType.DMA,
            pltpu.SemaphoreType.DMA,
            pltpu.SemaphoreType.DMA,
            pltpu.SemaphoreType.DMA,
            pltpu.SemaphoreType.DMA,
            pltpu.SemaphoreType.DMA,
        ],
        compiler_params=pltpu.CompilerParams(
            use_tc_tiling_on_sc=False, needs_layout_passes=False
        ),
    )
    return kern(x2d, table, gamma, beta)


def kernel(x, table, gamma, beta):
    from jax.experimental import layout

    table = layout.with_layout_constraint(
        table, layout.Layout((0, 1), ((8,),)))
    x2d = x.reshape(B * H // IW, IW).astype(jnp.int32)
    out = _run_impl(x2d, table, gamma, beta)
    return layout.with_layout_constraint(
        out, layout.Layout((0, 1, 2), ((8,),)))

# --- scband reference (transcript-rebuilt; emitter-appended) ---
"""Pipeline reference for scband-embedding-layer-49306224558814 (READ-ONLY COPY).

The authoritative reference and input builder live on the scoring server;
editing this copy changes nothing except your own understanding.
"""

import jax, jax.numpy as jnp
import numpy as np

NUM_EMBEDDINGS = 1000000
EMBED_DIM = 64
BATCH = 4096
HIST = 200
EPS = 1e-5


def setup_inputs(seed: int = 0) -> dict:
    key = jax.random.key(seed)
    k1, k2 = jax.random.split(key, 2)
    x = jax.random.randint(k1, (BATCH, HIST), 0, NUM_EMBEDDINGS, dtype=jnp.int64 if jax.config.jax_enable_x64 else jnp.int32)
    # Embedding table (stand-in for orthogonal init; padding row 0 zeroed in forward)
    table = jax.random.normal(k2, (NUM_EMBEDDINGS, EMBED_DIM), dtype=jnp.float32) * 0.02
    table = table.at[0].set(0.0)
    gamma = jnp.ones((EMBED_DIM,), dtype=jnp.float32)
    beta = jnp.zeros((EMBED_DIM,), dtype=jnp.float32)
    return {"x": x, "table": table, "gamma": gamma, "beta": beta}


def reference(x, table, gamma, beta):
    # padding_idx=0 -> row 0 is zero
    t = table.at[0].set(0.0)
    emb = jnp.take(t, x, axis=0)  # [B, L, D] gather
    # LayerNorm over last dim with elementwise affine
    mean = jnp.mean(emb, axis=-1, keepdims=True)
    var = jnp.var(emb, axis=-1, keepdims=True)
    normed = (emb - mean) / jnp.sqrt(var + EPS)
    return normed * gamma + beta

if __name__ == "__main__":
    import jax
    _d = setup_inputs()
    print(jax.jit(kernel)(*tuple(_d.values())))

</pallas_src>

<mosaic_0001>
#map = affine_map<(d0, d1) -> (0, 0)>
#map1 = affine_map<(d0, d1) -> (0)>
#map2 = affine_map<(d0, d1) -> (0, 0, 0)>
module attributes {stable_mosaic.version = 14 : i64} {
  func.func @_body(%arg0: i32, %arg1: i32, %arg2: memref<10240x80xi32, #tpu.memory_space<hbm>>, %arg3: memref<1000000x64xf32, #tpu.memory_space<hbm>>, %arg4: memref<64xf32, #tpu.memory_space<hbm>>, %arg5: memref<64xf32, #tpu.memory_space<hbm>>, %arg6: memref<4096x200x64xf32, #tpu.memory_space<hbm>>, %arg7: memref<5x80xi32, #tpu.memory_space<vmem>>, %arg8: memref<5x80xi32, #tpu.memory_space<vmem>>, %arg9: memref<400x64xf32, #tpu.memory_space<vmem>>, %arg10: memref<400x64xf32, #tpu.memory_space<vmem>>, %arg11: memref<2x200x64xf32, #tpu.memory_space<vmem>>, %arg12: memref<2x200x64xf32, #tpu.memory_space<vmem>>, %arg13: memref<2x64xf32, #tpu.memory_space<vmem>>, %arg14: memref<!tpu.dma_semaphore, #tpu.memory_space<semaphore_mem>>, %arg15: memref<!tpu.dma_semaphore, #tpu.memory_space<semaphore_mem>>, %arg16: memref<!tpu.dma_semaphore, #tpu.memory_space<semaphore_mem>>, %arg17: memref<!tpu.dma_semaphore, #tpu.memory_space<semaphore_mem>>, %arg18: memref<!tpu.dma_semaphore, #tpu.memory_space<semaphore_mem>>, %arg19: memref<!tpu.dma_semaphore, #tpu.memory_space<semaphore_mem>>) attributes {dimension_semantics = [#tpu.dimension_semantics<core_parallel>, #tpu.dimension_semantics<subcore_parallel>], iteration_bounds = array<i64: 2, 16>, scalar_prefetch = 0 : i64, scratch_operands = 13 : i64, tpu.core_type = #tpu.core_type<sc_vector_subcore>, window_params = [{transform_indices = #map}, {transform_indices = #map}, {transform_indices = #map1}, {transform_indices = #map1}, {transform_indices = #map2}]} {
    %mul3A = arith.constant 2 : i32
    %mul3A_0 = arith.muli %arg1, %mul3A : i32
    %add3A = arith.addi %mul3A_0, %arg0 : i32
    %mul3A_1 = arith.constant 128 : i32
    %mul3A_2 = arith.muli %add3A, %mul3A_1 : i32
    %mul3A_3 = arith.constant 320 : i32
    %mul3A_4 = arith.muli %add3A, %mul3A_3 : i32
    %run_scoped3A = arith.constant 0 : i32
    "tpu.region"() ({
      %run_scoped3A_117 = tpu.sem_alloc : memref<!tpu.dma_semaphore, #tpu.memory_space<semaphore_mem>>
      %dma_start3A_118 = arith.constant 0 : i32
      %dma_start3A_119 = tpu.memref_slice %arg13[%run_scoped3A, %dma_start3A_118] : memref<2x64xf32, #tpu.memory_space<vmem>> -> memref<1x64xf32, #tpu.memory_space<vmem>>
      %dma_start3A_120 = tpu.memref_squeeze %dma_start3A_119 : memref<1x64xf32, #tpu.memory_space<vmem>> -> memref<64xf32, #tpu.memory_space<vmem>>
      %dma_start3A_121 = arith.constant 0 : i32
      %dma_start3A_122 = tpu.memref_slice %arg13[%run_scoped3A, %dma_start3A_121] : memref<2x64xf32, #tpu.memory_space<vmem>> -> memref<1x64xf32, #tpu.memory_space<vmem>>
      %dma_start3A_123 = tpu.memref_squeeze %dma_start3A_122 : memref<1x64xf32, #tpu.memory_space<vmem>> -> memref<64xf32, #tpu.memory_space<vmem>>
      tpu.enqueue_dma source(%arg4 : memref<64xf32, #tpu.memory_space<hbm>>) target(%dma_start3A_123 : memref<64xf32, #tpu.memory_space<vmem>>) target_semaphore(%run_scoped3A_117 : memref<!tpu.dma_semaphore, #tpu.memory_space<semaphore_mem>>)
      %dma_wait3A_124 = arith.constant 0 : i32
      %dma_wait3A_125 = tpu.memref_slice %arg13[%run_scoped3A, %dma_wait3A_124] : memref<2x64xf32, #tpu.memory_space<vmem>> -> memref<1x64xf32, #tpu.memory_space<vmem>>
      %dma_wait3A_126 = tpu.memref_squeeze %dma_wait3A_125 : memref<1x64xf32, #tpu.memory_space<vmem>> -> memref<64xf32, #tpu.memory_space<vmem>>
      %dma_wait3A_127 = arith.constant 0 : i32
      %dma_wait3A_128 = tpu.memref_slice %arg13[%run_scoped3A, %dma_wait3A_127] : memref<2x64xf32, #tpu.memory_space<vmem>> -> memref<1x64xf32, #tpu.memory_space<vmem>>
      %dma_wait3A_129 = tpu.memref_squeeze %dma_wait3A_128 : memref<1x64xf32, #tpu.memory_space<vmem>> -> memref<64xf32, #tpu.memory_space<vmem>>
      tpu.wait_dma2 semaphore(%run_scoped3A_117 : memref<!tpu.dma_semaphore, #tpu.memory_space<semaphore_mem>>) src(%arg4 : memref<64xf32, #tpu.memory_space<hbm>>) dst(%dma_wait3A_129 : memref<64xf32, #tpu.memory_space<vmem>>)
      tpu.yield
    }) : () -> ()
    %run_scoped3A_5 = arith.constant 1 : i32
    "tpu.region"() ({
      %run_scoped3A_117 = tpu.sem_alloc : memref<!tpu.dma_semaphore, #tpu.memory_space<semaphore_mem>>
      %dma_start3A_118 = arith.constant 0 : i32
      %dma_start3A_119 = tpu.memref_slice %arg13[%run_scoped3A_5, %dma_start3A_118] : memref<2x64xf32, #tpu.memory_space<vmem>> -> memref<1x64xf32, #tpu.memory_space<vmem>>
      %dma_start3A_120 = tpu.memref_squeeze %dma_start3A_119 : memref<1x64xf32, #tpu.memory_space<vmem>> -> memref<64xf32, #tpu.memory_space<vmem>>
      %dma_start3A_121 = arith.constant 0 : i32
      %dma_start3A_122 = tpu.memref_slice %arg13[%run_scoped3A_5, %dma_start3A_121] : memref<2x64xf32, #tpu.memory_space<vmem>> -> memref<1x64xf32, #tpu.memory_space<vmem>>
      %dma_start3A_123 = tpu.memref_squeeze %dma_start3A_122 : memref<1x64xf32, #tpu.memory_space<vmem>> -> memref<64xf32, #tpu.memory_space<vmem>>
      tpu.enqueue_dma source(%arg5 : memref<64xf32, #tpu.memory_space<hbm>>) target(%dma_start3A_123 : memref<64xf32, #tpu.memory_space<vmem>>) target_semaphore(%run_scoped3A_117 : memref<!tpu.dma_semaphore, #tpu.memory_space<semaphore_mem>>)
      %dma_wait3A_124 = arith.constant 0 : i32
      %dma_wait3A_125 = tpu.memref_slice %arg13[%run_scoped3A_5, %dma_wait3A_124] : memref<2x64xf32, #tpu.memory_space<vmem>> -> memref<1x64xf32, #tpu.memory_space<vmem>>
      %dma_wait3A_126 = tpu.memref_squeeze %dma_wait3A_125 : memref<1x64xf32, #tpu.memory_space<vmem>> -> memref<64xf32, #tpu.memory_space<vmem>>
      %dma_wait3A_127 = arith.constant 0 : i32
      %dma_wait3A_128 = tpu.memref_slice %arg13[%run_scoped3A_5, %dma_wait3A_127] : memref<2x64xf32, #tpu.memory_space<vmem>> -> memref<1x64xf32, #tpu.memory_space<vmem>>
      %dma_wait3A_129 = tpu.memref_squeeze %dma_wait3A_128 : memref<1x64xf32, #tpu.memory_space<vmem>> -> memref<64xf32, #tpu.memory_space<vmem>>
      tpu.wait_dma2 semaphore(%run_scoped3A_117 : memref<!tpu.dma_semaphore, #tpu.memory_space<semaphore_mem>>) src(%arg5 : memref<64xf32, #tpu.memory_space<hbm>>) dst(%dma_wait3A_129 : memref<64xf32, #tpu.memory_space<vmem>>)
      tpu.yield
    }) : () -> ()
    %get3A = arith.constant 0 : i32
    %get3A_6 = arith.index_cast %get3A : i32 to index
    %get3A_7 = arith.constant 0 : index
    %get3A_8 = tpu.vector_load %arg13[%get3A_6, %get3A_7] {strides = array<i32>} : memref<2x64xf32, #tpu.memory_space<vmem>>, vector<16xf32>,
    %get3A_9 = arith.constant 0 : i32
    %get3A_10 = arith.index_cast %get3A_9 : i32 to index
    %get3A_11 = arith.constant 16 : index
    %get3A_12 = tpu.vector_load %arg13[%get3A_10, %get3A_11] {strides = array<i32>} : memref<2x64xf32, #tpu.memory_space<vmem>>, vector<16xf32>,
    %get3A_13 = arith.constant 0 : i32
    %get3A_14 = arith.index_cast %get3A_13 : i32 to index
    %get3A_15 = arith.constant 32 : index
    %get3A_16 = tpu.vector_load %arg13[%get3A_14, %get3A_15] {strides = array<i32>} : memref<2x64xf32, #tpu.memory_space<vmem>>, vector<16xf32>,
    %get3A_17 = arith.constant 0 : i32
    %get3A_18 = arith.index_cast %get3A_17 : i32 to index
    %get3A_19 = arith.constant 48 : index
    %get3A_20 = tpu.vector_load %arg13[%get3A_18, %get3A_19] {strides = array<i32>} : memref<2x64xf32, #tpu.memory_space<vmem>>, vector<16xf32>,
    %get3A_21 = arith.constant 1 : i32
    %get3A_22 = arith.index_cast %get3A_21 : i32 to index
    %get3A_23 = arith.constant 0 : index
    %get3A_24 = tpu.vector_load %arg13[%get3A_22, %get3A_23] {strides = array<i32>} : memref<2x64xf32, #tpu.memory_space<vmem>>, vector<16xf32>,
    %get3A_25 = arith.constant 1 : i32
    %get3A_26 = arith.index_cast %get3A_25 : i32 to index
    %get3A_27 = arith.constant 16 : index
    %get3A_28 = tpu.vector_load %arg13[%get3A_26, %get3A_27] {strides = array<i32>} : memref<2x64xf32, #tpu.memory_space<vmem>>, vector<16xf32>,
    %get3A_29 = arith.constant 1 : i32
    %get3A_30 = arith.index_cast %get3A_29 : i32 to index
    %get3A_31 = arith.constant 32 : index
    %get3A_32 = tpu.vector_load %arg13[%get3A_30, %get3A_31] {strides = array<i32>} : memref<2x64xf32, #tpu.memory_space<vmem>>, vector<16xf32>,
    %get3A_33 = arith.constant 1 : i32
    %get3A_34 = arith.index_cast %get3A_33 : i32 to index
    %get3A_35 = arith.constant 48 : index
    %get3A_36 = tpu.vector_load %arg13[%get3A_34, %get3A_35] {strides = array<i32>} : memref<2x64xf32, #tpu.memory_space<vmem>>, vector<16xf32>,
    %iota3A = tpu.iota {dimensions = array<i32: 0>} : vector<16xi32>
    %add3A_37 = arith.constant 0 : i32
    %add3A_38 = arith.addi %mul3A_4, %add3A_37 : i32
    %dma_start3A = arith.constant 0 : i32
    %dma_start3A_39 = tpu.memref_slice %arg2[%add3A_38, %dma_start3A] : memref<10240x80xi32, #tpu.memory_space<hbm>> -> memref<5x80xi32, #tpu.memory_space<hbm>>
    %dma_start3A_40 = arith.constant 0 : i32
    %dma_start3A_41 = tpu.memref_slice %arg2[%add3A_38, %dma_start3A_40] : memref<10240x80xi32, #tpu.memory_space<hbm>> -> memref<5x80xi32, #tpu.memory_space<hbm>>
    tpu.enqueue_dma source(%dma_start3A_41 : memref<5x80xi32, #tpu.memory_space<hbm>>) target(%arg7 : memref<5x80xi32, #tpu.memory_space<vmem>>) target_semaphore(%arg14 : memref<!tpu.dma_semaphore, #tpu.memory_space<semaphore_mem>>)
    %add3A_42 = arith.constant 5 : i32
    %add3A_43 = arith.addi %mul3A_4, %add3A_42 : i32
    %dma_start3A_44 = arith.constant 0 : i32
    %dma_start3A_45 = tpu.memref_slice %arg2[%add3A_43, %dma_start3A_44] : memref<10240x80xi32, #tpu.memory_space<hbm>> -> memref<5x80xi32, #tpu.memory_space<hbm>>
    %dma_start3A_46 = arith.constant 0 : i32
    %dma_start3A_47 = tpu.memref_slice %arg2[%add3A_43, %dma_start3A_46] : memref<10240x80xi32, #tpu.memory_space<hbm>> -> memref<5x80xi32, #tpu.memory_space<hbm>>
    tpu.enqueue_dma source(%dma_start3A_47 : memref<5x80xi32, #tpu.memory_space<hbm>>) target(%arg8 : memref<5x80xi32, #tpu.memory_space<vmem>>) target_semaphore(%arg15 : memref<!tpu.dma_semaphore, #tpu.memory_space<semaphore_mem>>)
    %dma_wait3A = arith.constant 0 : i32
    %dma_wait3A_48 = tpu.memref_slice %arg2[%mul3A_4, %dma_wait3A] : memref<10240x80xi32, #tpu.memory_space<hbm>> -> memref<5x80xi32, #tpu.memory_space<hbm>>
    %dma_wait3A_49 = arith.constant 0 : i32
    %dma_wait3A_50 = tpu.memref_slice %arg2[%mul3A_4, %dma_wait3A_49] : memref<10240x80xi32, #tpu.memory_space<hbm>> -> memref<5x80xi32, #tpu.memory_space<hbm>>
    tpu.wait_dma2 semaphore(%arg14 : memref<!tpu.dma_semaphore, #tpu.memory_space<semaphore_mem>>) src(%dma_wait3A_50 : memref<5x80xi32, #tpu.memory_space<hbm>>) dst(%arg7 : memref<5x80xi32, #tpu.memory_space<vmem>>)
    %dma_start3A_51 = arith.constant 0 : i32
    %dma_start3A_52 = arith.constant 0 : i32
    %dma_start3A_53 = arith.constant 0 : i32
    %dma_start3A_54 = tpu.memref_slice %arg9[%dma_start3A_52, %dma_start3A_53] : memref<400x64xf32, #tpu.memory_space<vmem>> -> memref<80x64xf32, #tpu.memory_space<vmem>>
    %dma_start3A_55 = arith.constant 0 : i32
    %dma_start3A_56 = tpu.memref_slice %arg7[%dma_start3A_51, %dma_start3A_55] : memref<5x80xi32, #tpu.memory_space<vmem>> -> memref<1x80xi32, #tpu.memory_space<vmem>>
    %dma_start3A_57 = tpu.memref_squeeze %dma_start3A_56 : memref<1x80xi32, #tpu.memory_space<vmem>> -> memref<80xi32, #tpu.memory_space<vmem>>
    %dma_start3A_58 = arith.constant 0 : i32
    %dma_start3A_59 = arith.constant 0 : i32
    %dma_start3A_60 = tpu.memref_slice %arg3[%dma_start3A_58, %dma_start3A_59] : memref<1000000x64xf32, #tpu.memory_space<hbm>> -> memref<1000000x64xf32, #tpu.memory_space<hbm>>
    tpu.enqueue_indirect_dma source(%dma_start3A_60 : memref<1000000x64xf32, #tpu.memory_space<hbm>>) target(%dma_start3A_54 : memref<80x64xf32, #tpu.memory_space<vmem>>) offsets(%dma_start3A_57 : memref<80xi32, #tpu.memory_space<vmem>>) semaphore(%arg16 : memref<!tpu.dma_semaphore, #tpu.memory_space<semaphore_mem>>)
    %dma_start3A_61 = arith.constant 1 : i32
    %dma_start3A_62 = arith.constant 80 : i32
    %dma_start3A_63 = arith.constant 0 : i32
    %dma_start3A_64 = tpu.memref_slice %arg9[%dma_start3A_62, %dma_start3A_63] : memref<400x64xf32, #tpu.memory_space<vmem>> -> memref<80x64xf32, #tpu.memory_space<vmem>>
    %dma_start3A_65 = arith.constant 0 : i32
    %dma_start3A_66 = tpu.memref_slice %arg7[%dma_start3A_61, %dma_start3A_65] : memref<5x80xi32, #tpu.memory_space<vmem>> -> memref<1x80xi32, #tpu.memory_space<vmem>>
    %dma_start3A_67 = tpu.memref_squeeze %dma_start3A_66 : memref<1x80xi32, #tpu.memory_space<vmem>> -> memref<80xi32, #tpu.memory_space<vmem>>
    %dma_start3A_68 = arith.constant 0 : i32
    %dma_start3A_69 = arith.constant 0 : i32
    %dma_start3A_70 = tpu.memref_slice %arg3[%dma_start3A_68, %dma_start3A_69] : memref<1000000x64xf32, #tpu.memory_space<hbm>> -> memref<1000000x64xf32, #tpu.memory_space<hbm>>
    tpu.enqueue_indirect_dma source(%dma_start3A_70 : memref<1000000x64xf32, #tpu.memory_space<hbm>>) target(%dma_start3A_64 : memref<80x64xf32, #tpu.memory_space<vmem>>) offsets(%dma_start3A_67 : memref<80xi32, #tpu.memory_space<vmem>>) semaphore(%arg16 : memref<!tpu.dma_semaphore, #tpu.memory_space<semaphore_mem>>)
    %dma_start3A_71 = arith.constant 2 : i32
    %dma_start3A_72 = arith.constant 160 : i32
    %dma_start3A_73 = arith.constant 0 : i32
    %dma_start3A_74 = tpu.memref_slice %arg9[%dma_start3A_72, %dma_start3A_73] : memref<400x64xf32, #tpu.memory_space<vmem>> -> memref<80x64xf32, #tpu.memory_space<vmem>>
    %dma_start3A_75 = arith.constant 0 : i32
    %dma_start3A_76 = tpu.memref_slice %arg7[%dma_start3A_71, %dma_start3A_75] : memref<5x80xi32, #tpu.memory_space<vmem>> -> memref<1x80xi32, #tpu.memory_space<vmem>>
    %dma_start3A_77 = tpu.memref_squeeze %dma_start3A_76 : memref<1x80xi32, #tpu.memory_space<vmem>> -> memref<80xi32, #tpu.memory_space<vmem>>
    %dma_start3A_78 = arith.constant 0 : i32
    %dma_start3A_79 = arith.constant 0 : i32
    %dma_start3A_80 = tpu.memref_slice %arg3[%dma_start3A_78, %dma_start3A_79] : memref<1000000x64xf32, #tpu.memory_space<hbm>> -> memref<1000000x64xf32, #tpu.memory_space<hbm>>
    tpu.enqueue_indirect_dma source(%dma_start3A_80 : memref<1000000x64xf32, #tpu.memory_space<hbm>>) target(%dma_start3A_74 : memref<80x64xf32, #tpu.memory_space<vmem>>) offsets(%dma_start3A_77 : memref<80xi32, #tpu.memory_space<vmem>>) semaphore(%arg16 : memref<!tpu.dma_semaphore, #tpu.memory_space<semaphore_mem>>)
    %dma_start3A_81 = arith.constant 3 : i32
    %dma_start3A_82 = arith.constant 240 : i32
    %dma_start3A_83 = arith.constant 0 : i32
    %dma_start3A_84 = tpu.memref_slice %arg9[%dma_start3A_82, %dma_start3A_83] : memref<400x64xf32, #tpu.memory_space<vmem>> -> memref<80x64xf32, #tpu.memory_space<vmem>>
    %dma_start3A_85 = arith.constant 0 : i32
    %dma_start3A_86 = tpu.memref_slice %arg7[%dma_start3A_81, %dma_start3A_85] : memref<5x80xi32, #tpu.memory_space<vmem>> -> memref<1x80xi32, #tpu.memory_space<vmem>>
    %dma_start3A_87 = tpu.memref_squeeze %dma_start3A_86 : memref<1x80xi32, #tpu.memory_space<vmem>> -> memref<80xi32, #tpu.memory_space<vmem>>
    %dma_start3A_88 = arith.constant 0 : i32
    %dma_start3A_89 = arith.constant 0 : i32
    %dma_start3A_90 = tpu.memref_slice %arg3[%dma_start3A_88, %dma_start3A_89] : memref<1000000x64xf32, #tpu.memory_space<hbm>> -> memref<1000000x64xf32, #tpu.memory_space<hbm>>
    tpu.enqueue_indirect_dma source(%dma_start3A_90 : memref<1000000x64xf32, #tpu.memory_space<hbm>>) target(%dma_start3A_84 : memref<80x64xf32, #tpu.memory_space<vmem>>) offsets(%dma_start3A_87 : memref<80xi32, #tpu.memory_space<vmem>>) semaphore(%arg16 : memref<!tpu.dma_semaphore, #tpu.memory_space<semaphore_mem>>)
    %dma_start3A_91 = arith.constant 4 : i32
    %dma_start3A_92 = arith.constant 320 : i32
    %dma_start3A_93 = arith.constant 0 : i32
    %dma_start3A_94 = tpu.memref_slice %arg9[%dma_start3A_92, %dma_start3A_93] : memref<400x64xf32, #tpu.memory_space<vmem>> -> memref<80x64xf32, #tpu.memory_space<vmem>>
    %dma_start3A_95 = arith.constant 0 : i32
    %dma_start3A_96 = tpu.memref_slice %arg7[%dma_start3A_91, %dma_start3A_95] : memref<5x80xi32, #tpu.memory_space<vmem>> -> memref<1x80xi32, #tpu.memory_space<vmem>>
    %dma_start3A_97 = tpu.memref_squeeze %dma_start3A_96 : memref<1x80xi32, #tpu.memory_space<vmem>> -> memref<80xi32, #tpu.memory_space<vmem>>
    %dma_start3A_98 = arith.constant 0 : i32
    %dma_start3A_99 = arith.constant 0 : i32
    %dma_start3A_100 = tpu.memref_slice %arg3[%dma_start3A_98, %dma_start3A_99] : memref<1000000x64xf32, #tpu.memory_space<hbm>> -> memref<1000000x64xf32, #tpu.memory_space<hbm>>
    tpu.enqueue_indirect_dma source(%dma_start3A_100 : memref<1000000x64xf32, #tpu.memory_space<hbm>>) target(%dma_start3A_94 : memref<80x64xf32, #tpu.memory_space<vmem>>) offsets(%dma_start3A_97 : memref<80xi32, #tpu.memory_space<vmem>>) semaphore(%arg16 : memref<!tpu.dma_semaphore, #tpu.memory_space<semaphore_mem>>)
    %scan3A = arith.constant 0 : i32
    %scan3A_101 = arith.constant 32 : i32
    %scan3A_102 = arith.addi %scan3A, %scan3A_101 : i32
    %scan3A_103 = arith.constant 1 : i32
    scf.for %scan3A_117 = %scan3A to %scan3A_102 step %scan3A_103  : i32 {
      %mul3A_118 = arith.constant 2 : i32
      %mul3A_119 = arith.muli %mul3A_118, %scan3A_117 : i32
      %add3A_120 = arith.constant 1 : i32
      %add3A_121 = arith.addi %mul3A_119, %add3A_120 : i32
      %dma_wait3A_122 = arith.constant 0 : i32
      %dma_wait3A_123 = arith.constant 0 : i32
      %dma_wait3A_124 = tpu.memref_slice %arg3[%dma_wait3A_122, %dma_wait3A_123] : memref<1000000x64xf32, #tpu.memory_space<hbm>> -> memref<400x64xf32, #tpu.memory_space<hbm>>
      %dma_wait3A_125 = arith.constant 0 : i32
      %dma_wait3A_126 = arith.constant 0 : i32
      %dma_wait3A_127 = tpu.memref_slice %arg3[%dma_wait3A_125, %dma_wait3A_126] : memref<1000000x64xf32, #tpu.memory_space<hbm>> -> memref<400x64xf32, #tpu.memory_space<hbm>>
      tpu.wait_dma2 semaphore(%arg16 : memref<!tpu.dma_semaphore, #tpu.memory_space<semaphore_mem>>) src(%dma_wait3A_127 : memref<400x64xf32, #tpu.memory_space<hbm>>) dst(%arg9 : memref<400x64xf32, #tpu.memory_space<vmem>>)
      %dma_wait3A_128 = arith.constant 0 : i32
      %dma_wait3A_129 = tpu.memref_slice %arg2[%mul3A_4, %dma_wait3A_128] : memref<10240x80xi32, #tpu.memory_space<hbm>> -> memref<5x80xi32, #tpu.memory_space<hbm>>
      %dma_wait3A_130 = arith.constant 0 : i32
      %dma_wait3A_131 = tpu.memref_slice %arg2[%mul3A_4, %dma_wait3A_130] : memref<10240x80xi32, #tpu.memory_space<hbm>> -> memref<5x80xi32, #tpu.memory_space<hbm>>
      tpu.wait_dma2 semaphore(%arg15 : memref<!tpu.dma_semaphore, #tpu.memory_space<semaphore_mem>>) src(%dma_wait3A_131 : memref<5x80xi32, #tpu.memory_space<hbm>>) dst(%arg8 : memref<5x80xi32, #tpu.memory_space<vmem>>)
      %dma_start3A_132 = arith.constant 0 : i32
      %dma_start3A_133 = arith.constant 0 : i32
      %dma_start3A_134 = arith.constant 0 : i32
      %dma_start3A_135 = tpu.memref_slice %arg10[%dma_start3A_133, %dma_start3A_134] : memref<400x64xf32, #tpu.memory_space<vmem>> -> memref<80x64xf32, #tpu.memory_space<vmem>>
      %dma_start3A_136 = arith.constant 0 : i32
      %dma_start3A_137 = tpu.memref_slice %arg8[%dma_start3A_132, %dma_start3A_136] : memref<5x80xi32, #tpu.memory_space<vmem>> -> memref<1x80xi32, #tpu.memory_space<vmem>>
      %dma_start3A_138 = tpu.memref_squeeze %dma_start3A_137 : memref<1x80xi32, #tpu.memory_space<vmem>> -> memref<80xi32, #tpu.memory_space<vmem>>
      %dma_start3A_139 = arith.constant 0 : i32
      %dma_start3A_140 = arith.constant 0 : i32
      %dma_start3A_141 = tpu.memref_slice %arg3[%dma_start3A_139, %dma_start3A_140] : memref<1000000x64xf32, #tpu.memory_space<hbm>> -> memref<1000000x64xf32, #tpu.memory_space<hbm>>
      tpu.enqueue_indirect_dma source(%dma_start3A_141 : memref<1000000x64xf32, #tpu.memory_space<hbm>>) target(%dma_start3A_135 : memref<80x64xf32, #tpu.memory_space<vmem>>) offsets(%dma_start3A_138 : memref<80xi32, #tpu.memory_space<vmem>>) semaphore(%arg17 : memref<!tpu.dma_semaphore, #tpu.memory_space<semaphore_mem>>)
      %dma_start3A_142 = arith.constant 1 : i32
      %dma_start3A_143 = arith.constant 80 : i32
      %dma_start3A_144 = arith.constant 0 : i32
      %dma_start3A_145 = tpu.memref_slice %arg10[%dma_start3A_143, %dma_start3A_144] : memref<400x64xf32, #tpu.memory_space<vmem>> -> memref<80x64xf32, #tpu.memory_space<vmem>>
      %dma_start3A_146 = arith.constant 0 : i32
      %dma_start3A_147 = tpu.memref_slice %arg8[%dma_start3A_142, %dma_start3A_146] : memref<5x80xi32, #tpu.memory_space<vmem>> -> memref<1x80xi32, #tpu.memory_space<vmem>>
      %dma_start3A_148 = tpu.memref_squeeze %dma_start3A_147 : memref<1x80xi32, #tpu.memory_space<vmem>> -> memref<80xi32, #tpu.memory_space<vmem>>
      %dma_start3A_149 = arith.constant 0 : i32
      %dma_start3A_150 = arith.constant 0 : i32
      %dma_start3A_151 = tpu.memref_slice %arg3[%dma_start3A_149, %dma_start3A_150] : memref<1000000x64xf32, #tpu.memory_space<hbm>> -> memref<1000000x64xf32, #tpu.memory_space<hbm>>
      tpu.enqueue_indirect_dma source(%dma_start3A_151 : memref<1000000x64xf32, #tpu.memory_space<hbm>>) target(%dma_start3A_145 : memref<80x64xf32, #tpu.memory_space<vmem>>) offsets(%dma_start3A_148 : memref<80xi32, #tpu.memory_space<vmem>>) semaphore(%arg17 : memref<!tpu.dma_semaphore, #tpu.memory_space<semaphore_mem>>)
      %dma_start3A_152 = arith.constant 2 : i32
      %dma_start3A_153 = arith.constant 160 : i32
      %dma_start3A_154 = arith.constant 0 : i32
      %dma_start3A_155 = tpu.memref_slice %arg10[%dma_start3A_153, %dma_start3A_154] : memref<400x64xf32, #tpu.memory_space<vmem>> -> memref<80x64xf32, #tpu.memory_space<vmem>>
      %dma_start3A_156 = arith.constant 0 : i32
      %dma_start3A_157 = tpu.memref_slice %arg8[%dma_start3A_152, %dma_start3A_156] : memref<5x80xi32, #tpu.memory_space<vmem>> -> memref<1x80xi32, #tpu.memory_space<vmem>>
      %dma_start3A_158 = tpu.memref_squeeze %dma_start3A_157 : memref<1x80xi32, #tpu.memory_space<vmem>> -> memref<80xi32, #tpu.memory_space<vmem>>
      %dma_start3A_159 = arith.constant 0 : i32
      %dma_start3A_160 = arith.constant 0 : i32
      %dma_start3A_161 = tpu.memref_slice %arg3[%dma_start3A_159, %dma_start3A_160] : memref<1000000x64xf32, #tpu.memory_space<hbm>> -> memref<1000000x64xf32, #tpu.memory_space<hbm>>
      tpu.enqueue_indirect_dma source(%dma_start3A_161 : memref<1000000x64xf32, #tpu.memory_space<hbm>>) target(%dma_start3A_155 : memref<80x64xf32, #tpu.memory_space<vmem>>) offsets(%dma_start3A_158 : memref<80xi32, #tpu.memory_space<vmem>>) semaphore(%arg17 : memref<!tpu.dma_semaphore, #tpu.memory_space<semaphore_mem>>)
      %dma_start3A_162 = arith.constant 3 : i32
      %dma_start3A_163 = arith.constant 240 : i32
      %dma_start3A_164 = arith.constant 0 : i32
      %dma_start3A_165 = tpu.memref_slice %arg10[%dma_start3A_163, %dma_start3A_164] : memref<400x64xf32, #tpu.memory_space<vmem>> -> memref<80x64xf32, #tpu.memory_space<vmem>>
      %dma_start3A_166 = arith.constant 0 : i32
      %dma_start3A_167 = tpu.memref_slice %arg8[%dma_start3A_162, %dma_start3A_166] : memref<5x80xi32, #tpu.memory_space<vmem>> -> memref<1x80xi32, #tpu.memory_space<vmem>>
      %dma_start3A_168 = tpu.memref_squeeze %dma_start3A_167 : memref<1x80xi32, #tpu.memory_space<vmem>> -> memref<80xi32, #tpu.memory_space<vmem>>
      %dma_start3A_169 = arith.constant 0 : i32
      %dma_start3A_170 = arith.constant 0 : i32
      %dma_start3A_171 = tpu.memref_slice %arg3[%dma_start3A_169, %dma_start3A_170] : memref<1000000x64xf32, #tpu.memory_space<hbm>> -> memref<1000000x64xf32, #tpu.memory_space<hbm>>
      tpu.enqueue_indirect_dma source(%dma_start3A_171 : memref<1000000x64xf32, #tpu.memory_space<hbm>>) target(%dma_start3A_165 : memref<80x64xf32, #tpu.memory_space<vmem>>) offsets(%dma_start3A_168 : memref<80xi32, #tpu.memory_space<vmem>>) semaphore(%arg17 : memref<!tpu.dma_semaphore, #tpu.memory_space<semaphore_mem>>)
      %dma_start3A_172 = arith.constant 4 : i32
      %dma_start3A_173 = arith.constant 320 : i32
      %dma_start3A_174 = arith.constant 0 : i32
      %dma_start3A_175 = tpu.memref_slice %arg10[%dma_start3A_173, %dma_start3A_174] : memref<400x64xf32, #tpu.memory_space<vmem>> -> memref<80x64xf32, #tpu.memory_space<vmem>>
      %dma_start3A_176 = arith.constant 0 : i32
      %dma_start3A_177 = tpu.memref_slice %arg8[%dma_start3A_172, %dma_start3A_176] : memref<5x80xi32, #tpu.memory_space<vmem>> -> memref<1x80xi32, #tpu.memory_space<vmem>>
      %dma_start3A_178 = tpu.memref_squeeze %dma_start3A_177 : memref<1x80xi32, #tpu.memory_space<vmem>> -> memref<80xi32, #tpu.memory_space<vmem>>
      %dma_start3A_179 = arith.constant 0 : i32
      %dma_start3A_180 = arith.constant 0 : i32
      %dma_start3A_181 = tpu.memref_slice %arg3[%dma_start3A_179, %dma_start3A_180] : memref<1000000x64xf32, #tpu.memory_space<hbm>> -> memref<1000000x64xf32, #tpu.memory_space<hbm>>
      tpu.enqueue_indirect_dma source(%dma_start3A_181 : memref<1000000x64xf32, #tpu.memory_space<hbm>>) target(%dma_start3A_175 : memref<80x64xf32, #tpu.memory_space<vmem>>) offsets(%dma_start3A_178 : memref<80xi32, #tpu.memory_space<vmem>>) semaphore(%arg17 : memref<!tpu.dma_semaphore, #tpu.memory_space<semaphore_mem>>)
      %lt3A = arith.constant 31 : i32
      %lt3A_182 = arith.cmpi slt, %scan3A_117, %lt3A : i32
      %convert_element_type3A = arith.extui %lt3A_182 : i1 to i32
      %cond3A = arith.constant 0 : i32
      %cond3A_183 = arith.cmpi ne, %convert_element_type3A, %cond3A : i32
      scf.if %cond3A_183 {
        %add3A_222 = arith.constant 2 : i32
        %add3A_223 = arith.addi %mul3A_119, %add3A_222 : i32
        %mul3A_224 = arith.constant 5 : i32
        %mul3A_225 = arith.muli %add3A_223, %mul3A_224 : i32
        %add3A_226 = arith.addi %mul3A_4, %mul3A_225 : i32
        %dma_start3A_227 = arith.constant 0 : i32
        %dma_start3A_228 = tpu.memref_slice %arg2[%add3A_226, %dma_start3A_227] : memref<10240x80xi32, #tpu.memory_space<hbm>> -> memref<5x80xi32, #tpu.memory_space<hbm>>
        %dma_start3A_229 = arith.constant 0 : i32
        %dma_start3A_230 = tpu.memref_slice %arg2[%add3A_226, %dma_start3A_229] : memref<10240x80xi32, #tpu.memory_space<hbm>> -> memref<5x80xi32, #tpu.memory_space<hbm>>
        tpu.enqueue_dma source(%dma_start3A_230 : memref<5x80xi32, #tpu.memory_space<hbm>>) target(%arg7 : memref<5x80xi32, #tpu.memory_space<vmem>>) target_semaphore(%arg14 : memref<!tpu.dma_semaphore, #tpu.memory_space<semaphore_mem>>)
      } else {
      }
      %gt3A = arith.constant 0 : i32
      %gt3A_184 = arith.cmpi sgt, %scan3A_117, %gt3A : i32
      %convert_element_type3A_185 = arith.extui %gt3A_184 : i1 to i32
      %cond3A_186 = arith.constant 0 : i32
      %cond3A_187 = arith.cmpi ne, %convert_element_type3A_185, %cond3A_186 : i32
      scf.if %cond3A_187 {
        %dma_wait3A_222 = arith.constant 0 : i32
        %dma_wait3A_223 = arith.constant 0 : i32
        %dma_wait3A_224 = tpu.memref_slice %arg6[%mul3A_2, %dma_wait3A_222, %dma_wait3A_223] : memref<4096x200x64xf32, #tpu.memory_space<hbm>> -> memref<2x200x64xf32, #tpu.memory_space<hbm>>
        %dma_wait3A_225 = arith.constant 0 : i32
        %dma_wait3A_226 = arith.constant 0 : i32
        %dma_wait3A_227 = tpu.memref_slice %arg6[%mul3A_2, %dma_wait3A_225, %dma_wait3A_226] : memref<4096x200x64xf32, #tpu.memory_space<hbm>> -> memref<2x200x64xf32, #tpu.memory_space<hbm>>
        tpu.wait_dma2 semaphore(%arg18 : memref<!tpu.dma_semaphore, #tpu.memory_space<semaphore_mem>>) src(%arg11 : memref<2x200x64xf32, #tpu.memory_space<vmem>>) dst(%dma_wait3A_227 : memref<2x200x64xf32, #tpu.memory_space<hbm>>)
      } else {
      }
      %mul3A_188 = arith.constant 2 : i32
      %mul3A_189 = arith.muli %mul3A_119, %mul3A_188 : i32
      %add3A_190 = arith.addi %mul3A_2, %mul3A_189 : i32
      %dma_start3A_191 = arith.constant 0 : i32
      %dma_start3A_192 = arith.constant 0 : i32
      %dma_start3A_193 = tpu.memref_slice %arg6[%add3A_190, %dma_start3A_191, %dma_start3A_192] : memref<4096x200x64xf32, #tpu.memory_space<hbm>> -> memref<2x200x64xf32, #tpu.memory_space<hbm>>
      %dma_start3A_194 = arith.constant 0 : i32
      %dma_start3A_195 = arith.constant 0 : i32
      %dma_start3A_196 = tpu.memref_slice %arg6[%add3A_190, %dma_start3A_194, %dma_start3A_195] : memref<4096x200x64xf32, #tpu.memory_space<hbm>> -> memref<2x200x64xf32, #tpu.memory_space<hbm>>
      tpu.enqueue_dma source(%arg11 : memref<2x200x64xf32, #tpu.memory_space<vmem>>) target(%dma_start3A_196 : memref<2x200x64xf32, #tpu.memory_space<hbm>>) target_semaphore(%arg18 : memref<!tpu.dma_semaphore, #tpu.memory_space<semaphore_mem>>)
      %dma_wait3A_197 = arith.constant 0 : i32
      %dma_wait3A_198 = arith.constant 0 : i32
      %dma_wait3A_199 = tpu.memref_slice %arg3[%dma_wait3A_197, %dma_wait3A_198] : memref<1000000x64xf32, #tpu.memory_space<hbm>> -> memref<400x64xf32, #tpu.memory_space<hbm>>
      %dma_wait3A_200 = arith.constant 0 : i32
      %dma_wait3A_201 = arith.constant 0 : i32
      %dma_wait3A_202 = tpu.memref_slice %arg3[%dma_wait3A_200, %dma_wait3A_201] : memref<1000000x64xf32, #tpu.memory_space<hbm>> -> memref<400x64xf32, #tpu.memory_space<hbm>>
      tpu.wait_dma2 semaphore(%arg17 : memref<!tpu.dma_semaphore, #tpu.memory_space<semaphore_mem>>) src(%dma_wait3A_202 : memref<400x64xf32, #tpu.memory_space<hbm>>) dst(%arg10 : memref<400x64xf32, #tpu.memory_space<vmem>>)
      %lt3A_203 = arith.constant 31 : i32
      %lt3A_204 = arith.cmpi slt, %scan3A_117, %lt3A_203 : i32
      %convert_element_type3A_205 = arith.extui %lt3A_204 : i1 to i32
      %cond3A_206 = arith.constant 0 : i32
      %cond3A_207 = arith.cmpi ne, %convert_element_type3A_205, %cond3A_206 : i32
      scf.if %cond3A_207 {
        %dma_wait3A_222 = arith.constant 0 : i32
        %dma_wait3A_223 = tpu.memref_slice %arg2[%mul3A_4, %dma_wait3A_222] : memref<10240x80xi32, #tpu.memory_space<hbm>> -> memref<5x80xi32, #tpu.memory_space<hbm>>
        %dma_wait3A_224 = arith.constant 0 : i32
        %dma_wait3A_225 = tpu.memref_slice %arg2[%mul3A_4, %dma_wait3A_224] : memref<10240x80xi32, #tpu.memory_space<hbm>> -> memref<5x80xi32, #tpu.memory_space<hbm>>
        tpu.wait_dma2 semaphore(%arg14 : memref<!tpu.dma_semaphore, #tpu.memory_space<semaphore_mem>>) src(%dma_wait3A_225 : memref<5x80xi32, #tpu.memory_space<hbm>>) dst(%arg7 : memref<5x80xi32, #tpu.memory_space<vmem>>)
        %dma_start3A_226 = arith.constant 0 : i32
        %dma_start3A_227 = arith.constant 0 : i32
        %dma_start3A_228 = arith.constant 0 : i32
        %dma_start3A_229 = tpu.memref_slice %arg9[%dma_start3A_227, %dma_start3A_228] : memref<400x64xf32, #tpu.memory_space<vmem>> -> memref<80x64xf32, #tpu.memory_space<vmem>>
        %dma_start3A_230 = arith.constant 0 : i32
        %dma_start3A_231 = tpu.memref_slice %arg7[%dma_start3A_226, %dma_start3A_230] : memref<5x80xi32, #tpu.memory_space<vmem>> -> memref<1x80xi32, #tpu.memory_space<vmem>>
        %dma_start3A_232 = tpu.memref_squeeze %dma_start3A_231 : memref<1x80xi32, #tpu.memory_space<vmem>> -> memref<80xi32, #tpu.memory_space<vmem>>
        %dma_start3A_233 = arith.constant 0 : i32
        %dma_start3A_234 = arith.constant 0 : i32
        %dma_start3A_235 = tpu.memref_slice %arg3[%dma_start3A_233, %dma_start3A_234] : memref<1000000x64xf32, #tpu.memory_space<hbm>> -> memref<1000000x64xf32, #tpu.memory_space<hbm>>
        tpu.enqueue_indirect_dma source(%dma_start3A_235 : memref<1000000x64xf32, #tpu.memory_space<hbm>>) target(%dma_start3A_229 : memref<80x64xf32, #tpu.memory_space<vmem>>) offsets(%dma_start3A_232 : memref<80xi32, #tpu.memory_space<vmem>>) semaphore(%arg16 : memref<!tpu.dma_semaphore, #tpu.memory_space<semaphore_mem>>)
        %dma_start3A_236 = arith.constant 1 : i32
        %dma_start3A_237 = arith.constant 80 : i32
        %dma_start3A_238 = arith.constant 0 : i32
        %dma_start3A_239 = tpu.memref_slice %arg9[%dma_start3A_237, %dma_start3A_238] : memref<400x64xf32, #tpu.memory_space<vmem>> -> memref<80x64xf32, #tpu.memory_space<vmem>>
        %dma_start3A_240 = arith.constant 0 : i32
        %dma_start3A_241 = tpu.memref_slice %arg7[%dma_start3A_236, %dma_start3A_240] : memref<5x80xi32, #tpu.memory_space<vmem>> -> memref<1x80xi32, #tpu.memory_space<vmem>>
        %dma_start3A_242 = tpu.memref_squeeze %dma_start3A_241 : memref<1x80xi32, #tpu.memory_space<vmem>> -> memref<80xi32, #tpu.memory_space<vmem>>
        %dma_start3A_243 = arith.constant 0 : i32
        %dma_start3A_244 = arith.constant 0 : i32
        %dma_start3A_245 = tpu.memref_slice %arg3[%dma_start3A_243, %dma_start3A_244] : memref<1000000x64xf32, #tpu.memory_space<hbm>> -> memref<1000000x64xf32, #tpu.memory_space<hbm>>
        tpu.enqueue_indirect_dma source(%dma_start3A_245 : memref<1000000x64xf32, #tpu.memory_space<hbm>>) target(%dma_start3A_239 : memref<80x64xf32, #tpu.memory_space<vmem>>) offsets(%dma_start3A_242 : memref<80xi32, #tpu.memory_space<vmem>>) semaphore(%arg16 : memref<!tpu.dma_semaphore, #tpu.memory_space<semaphore_mem>>)
        %dma_start3A_246 = arith.constant 2 : i32
        %dma_start3A_247 = arith.constant 160 : i32
        %dma_start3A_248 = arith.constant 0 : i32
        %dma_start3A_249 = tpu.memref_slice %arg9[%dma_start3A_247, %dma_start3A_248] : memref<400x64xf32, #tpu.memory_space<vmem>> -> memref<80x64xf32, #tpu.memory_space<vmem>>
        %dma_start3A_250 = arith.constant 0 : i32
        %dma_start3A_251 = tpu.memref_slice %arg7[%dma_start3A_246, %dma_start3A_250] : memref<5x80xi32, #tpu.memory_space<vmem>> -> memref<1x80xi32, #tpu.memory_space<vmem>>
        %dma_start3A_252 = tpu.memref_squeeze %dma_start3A_251 : memref<1x80xi32, #tpu.memory_space<vmem>> -> memref<80xi32, #tpu.memory_space<vmem>>
        %dma_start3A_253 = arith.constant 0 : i32
        %dma_start3A_254 = arith.constant 0 : i32
        %dma_start3A_255 = tpu.memref_slice %arg3[%dma_start3A_253, %dma_start3A_254] : memref<1000000x64xf32, #tpu.memory_space<hbm>> -> memref<1000000x64xf32, #tpu.memory_space<hbm>>
        tpu.enqueue_indirect_dma source(%dma_start3A_255 : memref<1000000x64xf32, #tpu.memory_space<hbm>>) target(%dma_start3A_249 : memref<80x64xf32, #tpu.memory_space<vmem>>) offsets(%dma_start3A_252 : memref<80xi32, #tpu.memory_space<vmem>>) semaphore(%arg16 : memref<!tpu.dma_semaphore, #tpu.memory_space<semaphore_mem>>)
        %dma_start3A_256 = arith.constant 3 : i32
        %dma_start3A_257 = arith.constant 240 : i32
        %dma_start3A_258 = arith.constant 0 : i32
        %dma_start3A_259 = tpu.memref_slice %arg9[%dma_start3A_257, %dma_start3A_258] : memref<400x64xf32, #tpu.memory_space<vmem>> -> memref<80x64xf32, #tpu.memory_space<vmem>>
        %dma_start3A_260 = arith.constant 0 : i32
        %dma_start3A_261 = tpu.memref_slice %arg7[%dma_start3A_256, %dma_start3A_260] : memref<5x80xi32, #tpu.memory_space<vmem>> -> memref<1x80xi32, #tpu.memory_space<vmem>>
        %dma_start3A_262 = tpu.memref_squeeze %dma_start3A_261 : memref<1x80xi32, #tpu.memory_space<vmem>> -> memref<80xi32, #tpu.memory_space<vmem>>
        %dma_start3A_263 = arith.constant 0 : i32
        %dma_start3A_264 = arith.constant 0 : i32
        %dma_start3A_265 = tpu.memref_slice %arg3[%dma_start3A_263, %dma_start3A_264] : memref<1000000x64xf32, #tpu.memory_space<hbm>> -> memref<1000000x64xf32, #tpu.memory_space<hbm>>
        tpu.enqueue_indirect_dma source(%dma_start3A_265 : memref<1000000x64xf32, #tpu.memory_space<hbm>>) target(%dma_start3A_259 : memref<80x64xf32, #tpu.memory_space<vmem>>) offsets(%dma_start3A_262 : memref<80xi32, #tpu.memory_space<vmem>>) semaphore(%arg16 : memref<!tpu.dma_semaphore, #tpu.memory_space<semaphore_mem>>)
        %dma_start3A_266 = arith.constant 4 : i32
        %dma_start3A_267 = arith.constant 320 : i32
        %dma_start3A_268 = arith.constant 0 : i32
        %dma_start3A_269 = tpu.memref_slice %arg9[%dma_start3A_267, %dma_start3A_268] : memref<400x64xf32, #tpu.memory_space<vmem>> -> memref<80x64xf32, #tpu.memory_space<vmem>>
        %dma_start3A_270 = arith.constant 0 : i32
        %dma_start3A_271 = tpu.memref_slice %arg7[%dma_start3A_266, %dma_start3A_270] : memref<5x80xi32, #tpu.memory_space<vmem>> -> memref<1x80xi32, #tpu.memory_space<vmem>>
        %dma_start3A_272 = tpu.memref_squeeze %dma_start3A_271 : memref<1x80xi32, #tpu.memory_space<vmem>> -> memref<80xi32, #tpu.memory_space<vmem>>
        %dma_start3A_273 = arith.constant 0 : i32
        %dma_start3A_274 = arith.constant 0 : i32
        %dma_start3A_275 = tpu.memref_slice %arg3[%dma_start3A_273, %dma_start3A_274] : memref<1000000x64xf32, #tpu.memory_space<hbm>> -> memref<1000000x64xf32, #tpu.memory_space<hbm>>
        tpu.enqueue_indirect_dma source(%dma_start3A_275 : memref<1000000x64xf32, #tpu.memory_space<hbm>>) target(%dma_start3A_269 : memref<80x64xf32, #tpu.memory_space<vmem>>) offsets(%dma_start3A_272 : memref<80xi32, #tpu.memory_space<vmem>>) semaphore(%arg16 : memref<!tpu.dma_semaphore, #tpu.memory_space<semaphore_mem>>)
        %add3A_276 = arith.constant 2 : i32
        %add3A_277 = arith.addi %add3A_121, %add3A_276 : i32
        %mul3A_278 = arith.constant 5 : i32
        %mul3A_279 = arith.muli %add3A_277, %mul3A_278 : i32
        %add3A_280 = arith.addi %mul3A_4, %mul3A_279 : i32
        %dma_start3A_281 = arith.constant 0 : i32
        %dma_start3A_282 = tpu.memref_slice %arg2[%add3A_280, %dma_start3A_281] : memref<10240x80xi32, #tpu.memory_space<hbm>> -> memref<5x80xi32, #tpu.memory_space<hbm>>
        %dma_start3A_283 = arith.constant 0 : i32
        %dma_start3A_284 = tpu.memref_slice %arg2[%add3A_280, %dma_start3A_283] : memref<10240x80xi32, #tpu.memory_space<hbm>> -> memref<5x80xi32, #tpu.memory_space<hbm>>
        tpu.enqueue_dma source(%dma_start3A_284 : memref<5x80xi32, #tpu.memory_space<hbm>>) target(%arg8 : memref<5x80xi32, #tpu.memory_space<vmem>>) target_semaphore(%arg15 : memref<!tpu.dma_semaphore, #tpu.memory_space<semaphore_mem>>)
      } else {
      }
      %gt3A_208 = arith.constant 0 : i32
      %gt3A_209 = arith.cmpi sgt, %scan3A_117, %gt3A_208 : i32
      %convert_element_type3A_210 = arith.extui %gt3A_209 : i1 to i32
      %cond3A_211 = arith.constant 0 : i32
      %cond3A_212 = arith.cmpi ne, %convert_element_type3A_210, %cond3A_211 : i32
      scf.if %cond3A_212 {
        %dma_wait3A_222 = arith.constant 0 : i32
        %dma_wait3A_223 = arith.constant 0 : i32
        %dma_wait3A_224 = tpu.memref_slice %arg6[%mul3A_2, %dma_wait3A_222, %dma_wait3A_223] : memref<4096x200x64xf32, #tpu.memory_space<hbm>> -> memref<2x200x64xf32, #tpu.memory_space<hbm>>
        %dma_wait3A_225 = arith.constant 0 : i32
        %dma_wait3A_226 = arith.constant 0 : i32
        %dma_wait3A_227 = tpu.memref_slice %arg6[%mul3A_2, %dma_wait3A_225, %dma_wait3A_226] : memref<4096x200x64xf32, #tpu.memory_space<hbm>> -> memref<2x200x64xf32, #tpu.memory_space<hbm>>
        tpu.wait_dma2 semaphore(%arg19 : memref<!tpu.dma_semaphore, #tpu.memory_space<semaphore_mem>>) src(%arg12 : memref<2x200x64xf32, #tpu.memory_space<vmem>>) dst(%dma_wait3A_227 : memref<2x200x64xf32, #tpu.memory_space<hbm>>)
      } else {
      }
      %mul3A_213 = arith.constant 2 : i32
      %mul3A_214 = arith.muli %add3A_121, %mul3A_213 : i32
      %add3A_215 = arith.addi %mul3A_2, %mul3A_214 : i32
      %dma_start3A_216 = arith.constant 0 : i32
      %dma_start3A_217 = arith.constant 0 : i32
      %dma_start3A_218 = tpu.memref_slice %arg6[%add3A_215, %dma_start3A_216, %dma_start3A_217] : memref<4096x200x64xf32, #tpu.memory_space<hbm>> -> memref<2x200x64xf32, #tpu.memory_space<hbm>>
      %dma_start3A_219 = arith.constant 0 : i32
      %dma_start3A_220 = arith.constant 0 : i32
      %dma_start3A_221 = tpu.memref_slice %arg6[%add3A_215, %dma_start3A_219, %dma_start3A_220] : memref<4096x200x64xf32, #tpu.memory_space<hbm>> -> memref<2x200x64xf32, #tpu.memory_space<hbm>>
      tpu.enqueue_dma source(%arg12 : memref<2x200x64xf32, #tpu.memory_space<vmem>>) target(%dma_start3A_221 : memref<2x200x64xf32, #tpu.memory_space<hbm>>) target_semaphore(%arg19 : memref<!tpu.dma_semaphore, #tpu.memory_space<semaphore_mem>>)
    }
    %scan3A_104 = arith.constant 32 : i32
    %dma_wait3A_105 = arith.constant 0 : i32
    %dma_wait3A_106 = arith.constant 0 : i32
    %dma_wait3A_107 = tpu.memref_slice %arg6[%mul3A_2, %dma_wait3A_105, %dma_wait3A_106] : memref<4096x200x64xf32, #tpu.memory_space<hbm>> -> memref<2x200x64xf32, #tpu.memory_space<hbm>>
    %dma_wait3A_108 = arith.constant 0 : i32
    %dma_wait3A_109 = arith.constant 0 : i32
    %dma_wait3A_110 = tpu.memref_slice %arg6[%mul3A_2, %dma_wait3A_108, %dma_wait3A_109] : memref<4096x200x64xf32, #tpu.memory_space<hbm>> -> memref<2x200x64xf32, #tpu.memory_space<hbm>>
    tpu.wait_dma2 semaphore(%arg18 : memref<!tpu.dma_semaphore, #tpu.memory_space<semaphore_mem>>) src(%arg11 : memref<2x200x64xf32, #tpu.memory_space<vmem>>) dst(%dma_wait3A_110 : memref<2x200x64xf32, #tpu.memory_space<hbm>>)
    %dma_wait3A_111 = arith.constant 0 : i32
    %dma_wait3A_112 = arith.constant 0 : i32
    %dma_wait3A_113 = tpu.memref_slice %arg6[%mul3A_2, %dma_wait3A_111, %dma_wait3A_112] : memref<4096x200x64xf32, #tpu.memory_space<hbm>> -> memref<2x200x64xf32, #tpu.memory_space<hbm>>
    %dma_wait3A_114 = arith.constant 0 : i32
    %dma_wait3A_115 = arith.constant 0 : i32
    %dma_wait3A_116 = tpu.memref_slice %arg6[%mul3A_2, %dma_wait3A_114, %dma_wait3A_115] : memref<4096x200x64xf32, #tpu.memory_space<hbm>> -> memref<2x200x64xf32, #tpu.memory_space<hbm>>
    tpu.wait_dma2 semaphore(%arg19 : memref<!tpu.dma_semaphore, #tpu.memory_space<semaphore_mem>>) src(%arg12 : memref<2x200x64xf32, #tpu.memory_space<vmem>>) dst(%dma_wait3A_116 : memref<2x200x64xf32, #tpu.memory_space<hbm>>)
    return
  }
}

</mosaic_0001>

<sc_bundles>
// kernel: kernel.3.cloned.1.call-start
scs
__scs_entry_jumppad:
0x0: {  	(pc) =	sbr.rel $0x88, $3  }
0x1: {  	(tag) =	ssettag $0x0;
	lr =	simm.s32 $0x1  }
0x2: {  	[smem:$0x3F9D] =	sst lr;
	_ =	strace $0xD0000000  }
0x3: {  	_ = 	snop  }
0x4: {  	_ = 	snop  }
0x5: {  	_ = 	snop  }
0x6: {  	_ = 	snop  }
0x7: {  	_ = 	snop  }
__scs_overlays_trampoline_lowered:
0x8: {  	[smem:$0x3FAC] =	sst s0  }
0x9: {  	[smem:$0x3FAD] =	sst s1  }
0xa: {  	[smem:$0x3FAE] =	sst s2  }
0xb: {  	[smem:$0x3FAF] =	sst s3  }
0xc: {  	[smem:$0x3FB0] =	sst s4  }
0xd: {  	[smem:$0x3FB1] =	sst s5  }
0xe: {  	[smem:$0x3FB2] =	sst s6  }
0xf: {  	[smem:$0x3FB3] =	sst s7  }
0x10: {  	[smem:$0x3FB4] =	sst s8  }
0x11: {  	[smem:$0x3FB5] =	sst s9;
	s0 =	simm.s32 @!p0 $0x0  }
0x12: {  	s1 =	sld [smem:$0x3F9B];
	s0 =	simm.s32 @p0 $0x1  }
0x13: {  	[smem:$0x3FB6] =	sst s0;
	s0 =	simm.s32 @!p1 $0x0  }
0x14: {  	s2 =	sld [smem:$0x3F9A];
	s0 =	simm.s32 @p1 $0x1  }
0x15: {  	[smem:$0x3FB7] =	sst s0;
	s0 =	simm.s32 @!p2 $0x0  }
0x16: {  	s3 =	sld [smem:$0x3FDB];
	s0 =	simm.s32 @p2 $0x1  }
0x17: {  	s4 =	simm.s32 $0x1BF5;
	[smem:$0x3FB9] =	sst s0  }
0x18: {  	s0 =	sld [smem:$0x3F9C];
	_ =	swait.ge [sflag:s4], $0x0  }
0x19: {  	s7 =	sld [smem:$0x3F9D]  }
0x1a: {  	s8 =	sadd.s32 $0xFFFFE003, lr  }
0x1b: {  	s9 =	sadd.s32 $0xFFFFFEF7, lr;
	s5 =	simm.s32 $0xFFFFFFFF;
	p2 =	slt.u32 s8, $0xFFFFF086  }
0x1c: {  	p1 =	slt.u32 s9, $0xF7A;
	s5 =	simm.s32 @!p2 $0x0  }
0x1d: {  	s5 =	simm.s32 @p1 $0x1;
	p0 =	seq.s32 s7, s2  }
0x1e: {  	s7 =	smul.u32 @!p0 $0xF7A, s2;
	p2 =	seq.s32 @!p0 s5, $0x0  }
0x1f: {  	s9 =	smul.u32 $0xF7A, s1;
	s8 =	simm.s32 @!p0 $0x1BF5;
	p2 =	por !p2, p0  }
0x20: {  	[sflag:s8] =	ssyncset.s32 @!p0 $0xFFFFF086;
	s6 =	sadd.s32 @!p0 s3, s7;
	s7 =	simm.s32 @!p0 $0x108  }
0x21: {  	s3 =	sadd.s32 s3, s9;
	s6 =	sadd.s32 @!p0 $0x88, s6;
	s7 =	simm.s32 @p2 $0x1082  }
0x22: {  	[simem:s7], [sflag:s8] =	dma.local @!p0 [hbm:s6], $0xF7A  }
0x23: {  	s9 =	sor.u32 $0xD0000000, s2;
	s6 =	simm.s32 $0x108;
	_ =	swait.ge @!p0 [sflag:s8], $0x0  }
0x24: {  	s3 =	sadd.s32 $0x88, s3;
	s6 =	simm.s32 @!p1 $0x1082;
	[sflag:s4] =	ssyncset.s32 $0xFFFFF086  }
0x25: {  	[simem:s6], [sflag:s4] =	dma.local [hbm:s3], $0xF7A  }
0x26: {  	[smem:$0x3F9D] =	sst s1;
	(tag) =	ssettag s2;
	_ =	strace s9  }
0x27: {  	s1 =	sld [smem:$0x3FAD]  }
0x28: {  	s2 =	sld [smem:$0x3FAE]  }
0x29: {  	s4 =	sld [smem:$0x3FB0]  }
0x2a: {  	p0 =	seq.s32 s5, $0x0;
	s5 =	sld [smem:$0x3FB1]  }
0x2b: {  	s6 =	sld [smem:$0x3FB2]  }
0x2c: {  	s7 =	sld [smem:$0x3FB3]  }
0x2d: {  	s3 =	simm.s32 $0x108;
	s8 =	sld [smem:$0x3FB4]  }
0x2e: {  	s3 =	simm.s32 @!p0 $0x1082;
	s9 =	sld [smem:$0x3FB5]  }
0x2f: {  	lr =	sadd.s32 s0, s3;
	s0 =	sld [smem:$0x3FAC]  }
0x30: {  	s3 =	sld [smem:$0x3FAF]  }
0x31: {  	[smem:$0x3FB8] =	sst s10  }
0x32: {  	s10 =	sld [smem:$0x3FB6];
	_ =	sdelay $0x3  }
0x33: {  	p0 =	seq.s32 s10, $0x1;
	s10 =	sld [smem:$0x3FB8];
	_ =	sdelay $0x3  }
0x34: {  	[smem:$0x3FB8] =	sst s10  }
0x35: {  	s10 =	sld [smem:$0x3FB7];
	_ =	sdelay $0x3  }
0x36: {  	p1 =	seq.s32 s10, $0x1;
	s10 =	sld [smem:$0x3FB8];
	_ =	sdelay $0x3  }
0x37: {  	[smem:$0x3FB8] =	sst s10  }
0x38: {  	s10 =	sld [smem:$0x3FB9]  }
0x39: {  	_ = 	snop;
	(pc) =	sbr.ind lr, $3  }
0x3a: {  	_ = 	snop  }
0x3b: {  	_ = 	snop  }
0x3c: {  	p2 =	seq.s32 s10, $0x1;
	s10 =	sld [smem:$0x3FB8]  }
0x3d: {  	_ =	shalt  }
0x3e: {  	_ =	shalt  }
0x3f: {  	_ =	shalt  }
0x40: {  	_ =	shalt  }
0x41: {  	_ =	shalt  }
0x42: {  	_ =	shalt  }
0x43: {  	_ =	shalt  }
0x44: {  	_ =	shalt  }
0x45: {  	_ =	shalt  }
0x46: {  	_ =	shalt  }
0x47: {  	_ =	shalt  }
0x48: {  	_ =	shalt  }
0x49: {  	_ =	shalt  }
0x4a: {  	_ =	shalt  }
0x4b: {  	_ =	shalt  }
0x4c: {  	_ =	shalt  }
0x4d: {  	_ =	shalt  }
0x4e: {  	_ =	shalt  }
0x4f: {  	_ =	shalt  }
0x50: {  	_ =	shalt  }
0x51: {  	_ =	shalt  }
0x52: {  	_ =	shalt  }
0x53: {  	_ =	shalt  }
0x54: {  	_ =	shalt  }
0x55: {  	_ =	shalt  }
0x56: {  	_ =	shalt  }
0x57: {  	_ =	shalt  }
0x58: {  	_ =	shalt  }
0x59: {  	_ =	shalt  }
0x5a: {  	_ =	shalt  }
0x5b: {  	_ =	shalt  }
0x5c: {  	_ =	shalt  }
0x5d: {  	_ =	shalt  }
0x5e: {  	_ =	shalt  }
0x5f: {  	_ =	shalt  }
0x60: {  	_ =	shalt  }
0x61: {  	_ =	shalt  }
0x62: {  	_ =	shalt  }
0x63: {  	_ =	shalt  }
0x64: {  	_ =	shalt  }
0x65: {  	_ =	shalt  }
0x66: {  	_ =	shalt  }
0x67: {  	_ =	shalt  }
0x68: {  	_ =	shalt  }
0x69: {  	_ =	shalt  }
0x6a: {  	_ =	shalt  }
0x6b: {  	_ =	shalt  }
0x6c: {  	_ =	shalt  }
0x6d: {  	_ =	shalt  }
0x6e: {  	_ =	shalt  }
0x6f: {  	_ =	shalt  }
0x70: {  	_ =	shalt  }
0x71: {  	_ =	shalt  }
0x72: {  	_ =	shalt  }
0x73: {  	_ =	shalt  }
0x74: {  	_ =	shalt  }
0x75: {  	_ =	shalt  }
0x76: {  	_ =	shalt  }
0x77: {  	_ =	shalt  }
0x78: {  	_ =	shalt  }
0x79: {  	_ =	shalt  }
0x7a: {  	_ =	shalt  }
0x7b: {  	_ =	shalt  }
0x7c: {  	_ =	shalt  }
0x7d: {  	_ =	shalt  }
0x7e: {  	_ =	shalt  }
0x7f: {  	_ =	shalt  }
0x80: {  	_ =	shalt  }
0x81: {  	_ =	shalt  }
0x82: {  	_ =	shalt  }
0x83: {  	_ =	shalt  }
0x84: {  	_ =	shalt  }
0x85: {  	_ =	shalt  }
0x86: {  	_ =	shalt  }
0x87: {  	_ =	shalt  }
.Lfunc_end0:
.L_simem_size_0:
called_computation_lowered:
.L_overlay_start_0:
0x88: {  	s2 =	sld [smem:$0x3FD9]  }
0x89: {  	s3 =	sld [smem:$0x3FFE];
	_ =	sdelay $0x1  }
0x8a: {  	s1 =	srdreg.scid  }
0x8b: {  	s0 =	sand.u32 $0x1, s1  }
0x8c: {  	s17 =	sshll.u32 s0, $0xA;
	s2 =	sadd.s32 s3, s2  }
0x8d: {  	s2 =	sadd.s32 s2, s17  }
0x8e: {  	[smem:$0x3FC4] =	sst s2  }
0x8f: {  	_ = 	snop  }
0x90: {  	s2 =	sld [smem:$0x3FC7]  }
0x91: {  	s18 =	sld [smem:$0x3FC6]  }
0x92: {  	s4 =	sld [smem:$0x3FD0];
	(tm) =	ssettm $0x1  }
0x93: {  	s5 =	sld [smem:$0x3FFB];
	_ =	sdelay $0x3  }
0x94: {  	_ =	strace s5  }
0x95: {  	s5 =	sld [smem:$0x3FFC];
	_ =	sdelay $0x3  }
0x96: {  	_ =	strace s5  }
0x97: {  	s5 =	sld [smem:$0x3FFD];
	_ =	sdelay $0x3  }
0x98: {  	_ =	strace s5  }
0x99: {  	_ =	strace $0x8FFFFFFF  }
0x9a: {  	s19 =	sld [smem:$0x3FDB];
	_ =	sdelay $0x1  }
0x9b: {  	s6 =	simm.s32 $_scs_section_size  }
0x9c: {  	s7 =	simm.s32 $_size__tile_overlayer_lowered;
	s8 =	simm.s32 $_tile_overlayer_lowered  }
0x9d: {  	s22 =	simm.s32 $0x1BFF;
	s21 =	sshll.u32 s8, $0x1;
	s5 =	sadd.s32 s6, s19  }
0x9e: {  	s9 =	simm.s32 $0x0;
	s20 =	sshll.u32 s7, $0x1;
	s7 =	sadd.s32 s21, s5  }
0x9f: {  	[timem:s9], [sflag:s22] =	dma.local [hbm:s7], s20  }
0xa0: {  	_ =	swait.ge [sflag:s22], s20  }
0xa1: {  	s6 =	ssub.s32 $0x0, s20;
	[sflag:s22] =	ssyncset.done $0x0  }
0xa2: {  	[sflag:s22] =	ssyncadd.s32 s6;
	_ =	sdelay $0x1  }
0xa3: {  	s23 =	simm.s32 $0x1B8B  }
0xa4: {  	_ =	swait.ge [sflag:s23], $0x1  }
0xa5: {  	[sflag:s23] =	ssyncset.done $0x0  }
0xa6: {  	s25 =	simm.s32 $0x1B8E;
	s24 =	sld [smem:$0x3FFE];
	[sflag:s23] =	ssyncadd.s32 $0xFFFFFFFF  }
0xa7: {  	s26 =	simm.s32 $execute0_lowered;
	[smem:$0x3FD2] =	sst s25  }
0xa8: {  	s7 =	sshll.u32 s26, $0x1;
	_ =	strace $0x80000046;
	[dreg:$0x1] =	wrdreg $0xFFFFFFFF  }
0xa9: {  	s28 =	simm.s32 $_size_execute0_lowered;
	s5 =	sadd.s32 s5, s7;
	[dreg:$0x0] =	wrdreg $0x0  }
0xaa: {  	s7 =	sshll.u32 s28, $0x1;
	[dreg:$0x2] =	wrdreg s5  }
0xab: {  	[dreg:$0x3] =	wrdreg s7  }
0xac: {  	[dreg:$0x4] =	wrdreg $0xC0  }
0xad: {  	_ =	task [dreg:s9], $0x5FFFF  }
0xae: {  	[dreg:$0x1] =	wrdreg $0xFFFFFFFF  }
0xaf: {  	[dreg:$0x0] =	wrdreg $0x60  }
0xb0: {  	[dreg:$0x2] =	wrdreg s24  }
0xb1: {  	[dreg:$0x3] =	wrdreg s4  }
0xb2: {  	[dreg:$0x4] =	wrdreg s2  }
0xb3: {  	[dreg:$0x5] =	wrdreg s18  }
0xb4: {  	[dreg:$0x6] =	wrdreg $0x9  }
0xb5: {  	_ =	task.clear_ibuf [dreg:s9], $0x7FFFF;
	_ =	strace $0x90000046  }
0xb6: {  	s29 =	simm.s32 $0x9;
	_ =	strace $0x80000048  }
0xb7: {  	_ =	swait.ge [sflag:s29], $0x1  }
0xb8: {  	[sflag:s29] =	ssyncadd.s32 $0xFFFFFFFF  }
0xb9: {  	_ =	strace $0x90000048  }
0xba: {  	_ =	sfence  }
0xbb: {  	s30 =	sld [smem:$0x0];
	_ =	sdelay $0x2  }
0xbc: {  	s31 =	sshll.u32 s1, $0xD;
	s1 =	sshrl.u32 s1, $0x2  }
0xbd: {  	s3 =	sand.u32 $0x4000, s31;
	s1 =	sadd.s32 s1, s30  }
0xbe: {  	s0 =	sor.u32 s3, s0;
	s1 =	sshll.u32 s1, $0x11  }
0xbf: {  	s0 =	sor.u32 s1, s0  }
0xc0: {  	s0 =	sadd.s32 $0x8F2B, s0  }
0xc1: {  	[sflag:s0] =	ssyncadd.remote.s32 $0x1  }
0xc2: {  	_ =	sfence.sel $0xFFFF  }
0xc3: {  	[dreg:$0x0] =	wrdreg $0xFFFFFFFF;
	(pc) =	sbr.abs _section_cstart, $3  }
0xc4: {  	[dreg:$0x1] =	wrdreg $0xFFFFFFFF  }
0xc5: {  	_ =	task.clear_ibuf [dreg:s9], $0x2FFFF;
	_ =	strace $0x9FFFFFFF  }
0xc6: {  	(tm) =	ssettm $0x7FFFFFFF  }
0xc7: {  	_ =	shalt  }
tec
execute0_lowered:
.L_overlay_start_1:
0x0: {  	(tag) =	ssettag $0x1  }
0x1: {  	s0 =	rddreg [dreg:$0x0];
	s2 =	srdreg.scid  }
0x2: {  	s11 =	stileid.u32;
	s1 =	rddreg [dreg:$0x1]  }
0x3: {  	s5 =	simm.s32 $0x0;
	s19 =	simm.s32 $0x190;
	s31 =	simm.s32 $0x3  }
0x4: {  	s12 =	simm.s32 $0x4;
	s14 =	simm.s32 $0x5;
	s21 =	smul.u32 $0x1900, s11  }
0x5: {  	s16 =	simm.s32 $0x7B20;
	s2 =	sand.u32 $0x1, s2;
	s24 =	smul.u32 $0x64000, s11  }
0x6: {  	s18 =	simm.s32 $0x230;
	s3 =	sshll.u32 s11, $0x1;
	s22 =	smul.u32 $0xC80, s2  }
0x7: {  	s3 =	sor.u32 s2, s3;
	s9 =	ssub.s32 $0x2, s2;
	s2 =	smul.u32 $0x32000, s2  }
0x8: {  	[smem:$0x7FF] =	sst s5;
	s8 =	sadd.s32 $0x400, s0;
	s4 =	smul.u32 $0x140, s3  }
0x9: {  	s0 =	sadd.s32 $0x19400, s0;
	_ =	strace $0x80000047;
	s6 =	smul.u32 $0xC80, s3  }
0xa: {  	s3 =	smul.u32 $0x32000, s3;
	s10 =	sshrl.u32 s9, $0x1;
	s28 =	sadd.s32 s21, s8  }
0xb: {  	s21 =	simm.s32 $0x50;
	s9 =	ssub.s32 s9, s10;
	s30 =	sadd.s32 s22, s28  }
0xc: {  	s7 =	sor.u32 $0xA, s4;
	s20 =	sadd.s32 s8, s6;
	[dreg:$0x5] =	wrdreg s30  }
0xd: {  	s4 =	sor.u32 $0xF, s4;
	s9 =	smax.u32 s9, $0x1;
	[dreg:$0x6] =	wrdreg s20  }
0xe: {  	s23 =	sadd.s32 s0, s3;
	s0 =	sadd.s32 s24, s0;
	[dreg:$0x8] =	wrdreg s9  }
0xf: {  	s24 =	simm.s32 $0x12F20;
	s10 =	sadd.s32 $0x32, s20;
	[dreg:$0xa] =	wrdreg s23  }
0x10: {  	s7 =	smul.u32 $0xA, s7;
	s25 =	sadd.s32 $0xC80, s23;
	[dreg:$0x7] =	wrdreg s10  }
0x11: {  	s4 =	smul.u32 $0xA, s4;
	s26 =	sadd.s32 $0x30700, s23;
	[dreg:$0xc] =	wrdreg s25  }
0x12: {  	s29 =	sadd.s32 $0x31380, s23;
	s0 =	sadd.s32 s2, s0;
	[dreg:$0xd] =	wrdreg s26  }
0x13: {  	s20 =	simm.s32 $0x1;
	[dreg:$0xe] =	wrdreg s29;
	s0 =	sadd.s32 $0x1900, s0  }
0x14: {  	s23 =	simm.s32 $0x320;
	s7 =	sadd.s32 s8, s7;
	[dreg:$0xf] =	wrdreg s0  }
0x15: {  	s2 =	simm.s32 $0x2;
	s4 =	sadd.s32 s8, s4;
	[dreg:$0x9] =	wrdreg s7  }
0x16: {  	s10 =	simm.s32 $0x6;
	s0 =	simm.s32 $0x0;
	[dreg:$0xb] =	wrdreg s4  }
.LBB2_1:
0x17: {  	[dreg:$0x10] =	wrdreg s0  }
0x18: {  	s15 =	rddreg [dreg:$0x2];
	s17 =	simm.s32 $0x19320;
	s8 =	simm.s32 $0x7  }
0x19: {  	[tilespmem:s17], [sflag:$0x7] =	stream.linear.gather [hbm4b:s15+s5], $0x40, $0x38;
	[tilespmem:$0x193A0] =	vst v63  }
0x1a: {  	_ =	swait.ge [sflag:s8], $0x40  }
0x1b: {  	[sflag:s8] =	ssyncset.done $0x0  }
0x1c: {  	[sflag:s8] =	ssyncadd.s32 $0xFFFFFFC0  }
0x1d: {  	s22 =	simm.s32 $0x19360;
	s9 =	rddreg [dreg:$0x3]  }
0x1e: {  	[tilespmem:s22], [sflag:$0x7] =	stream.linear.gather [hbm4b:s9+s5], $0x40, $0x38;
	[tilespmem:$0x193A0] =	vst v63  }
0x1f: {  	_ =	swait.ge [sflag:s8], $0x40  }
0x20: {  	[sflag:s8] =	ssyncset.done $0x0  }
0x21: {  	s11 =	rddreg [dreg:$0x6];
	[sflag:s8] =	ssyncadd.s32 $0xFFFFFFC0  }
0x22: {  	[tilespmem:s5], [sflag:$0x1] =	stream.linear.gather [hbm4b:s11+s5], $0x190, $0x38;
	[tilespmem:$0x193A0] =	vst v63  }
0x23: {  	s13 =	rddreg [dreg:$0x7]  }
0x24: {  	[tilespmem:s19], [sflag:$0x2] =	stream.linear.gather [hbm4b:s13+s5], $0x190, $0x38;
	[tilespmem:$0x193A0] =	vst v63  }
0x25: {  	_ =	swait.ge [sflag:s20], $0x190  }
0x26: {  	[sflag:s20] =	ssyncset.done $0x0  }
0x27: {  	[sflag:s20] =	ssyncadd.s32 $0xFFFFFE70  }
0x28: {  	[tilespmem:s23], [sflag:$0x3] =	stream.indirect.gather [hbm4b:s1+s21], $0x40, s5, s21, $0xb8;
	[tilespmem:$0x193A0] =	vst v63  }
0x29: {  	s0 =	simm.s32 $0x1720  }
0x2a: {  	[tilespmem:s0], [sflag:$0x3] =	stream.indirect.gather [hbm4b:s1+s21], $0x40, s21, s21, $0xb8;
	[tilespmem:$0x193A0] =	vst v63  }
0x2b: {  	s3 =	simm.s32 $0xA0;
	s29 =	simm.s32 $0x2B20  }
0x2c: {  	[tilespmem:s29], [sflag:$0x3] =	stream.indirect.gather [hbm4b:s1+s21], $0x40, s3, s21, $0xb8;
	[tilespmem:$0x193A0] =	vst v63  }
0x2d: {  	s4 =	simm.s32 $0xF0;
	s6 =	simm.s32 $0x3F20  }
0x2e: {  	[tilespmem:s6], [sflag:$0x3] =	stream.indirect.gather [hbm4b:s1+s21], $0x40, s4, s21, $0xb8;
	[tilespmem:$0x193A0] =	vst v63  }
0x2f: {  	s17 =	simm.s32 $0x140;
	s22 =	simm.s32 $0x5320  }
0x30: {  	[tilespmem:s22], [sflag:$0x3] =	stream.indirect.gather [hbm4b:s1+s21], $0x40, s17, s21, $0xb8;
	[tilespmem:$0x193A0] =	vst v63  }
0x31: {  	_ =	swait.ge [sflag:s31], $0x6400  }
0x32: {  	[sflag:s31] =	ssyncset.done $0x0  }
0x33: {  	[sflag:s31] =	ssyncadd.s32 $0xFFFF9C00  }
0x34: {  	_ =	swait.ge [sflag:s2], $0x190  }
0x35: {  	[sflag:s2] =	ssyncset.done $0x0  }
0x36: {  	s4 =	simm.s32 $0x6720;
	[sflag:s2] =	ssyncadd.s32 $0xFFFFFE70  }
0x37: {  	[tilespmem:s4], [sflag:$0x4] =	stream.indirect.gather [hbm4b:s1+s21], $0x40, s19, s21, $0xb8;
	[tilespmem:$0x193A0] =	vst v63  }
0x38: {  	s7 =	simm.s32 $0x1E0;
	s17 =	simm.s32 $0x7B20  }
0x39: {  	[tilespmem:s17], [sflag:$0x4] =	stream.indirect.gather [hbm4b:s1+s21], $0x40, s7, s21, $0xb8;
	[tilespmem:$0x193A0] =	vst v63  }
0x3a: {  	s13 =	simm.s32 $0x230;
	s22 =	simm.s32 $0x8F20  }
0x3b: {  	[tilespmem:s22], [sflag:$0x4] =	stream.indirect.gather [hbm4b:s1+s21], $0x40, s13, s21, $0xb8;
	[tilespmem:$0x193A0] =	vst v63  }
0x3c: {  	s28 =	simm.s32 $0xA320;
	s13 =	simm.s32 $0x280  }
0x3d: {  	[tilespmem:s28], [sflag:$0x4] =	stream.indirect.gather [hbm4b:s1+s21], $0x40, s13, s21, $0xb8;
	[tilespmem:$0x193A0] =	vst v63  }
0x3e: {  	s26 =	simm.s32 $0x2D0;
	s30 =	simm.s32 $0xB720  }
0x3f: {  	[tilespmem:s30], [sflag:$0x4] =	stream.indirect.gather [hbm4b:s1+s21], $0x40, s26, s21, $0xb8;
	[tilespmem:$0x193A0] =	vst v63  }
0x40: {  	s25 =	rddreg [dreg:$0x9]  }
0x41: {  	[tilespmem:s5], [sflag:$0x1] =	stream.linear.gather [hbm4b:s25+s5], $0x190, $0x38;
	[tilespmem:$0x193A0] =	vst v63  }
0x42: {  	s15 =	rddreg [dreg:$0xa];
	s25 =	simm.s32 $0xCB20  }
0x43: {  	[hbm4b:s15+s5] =	stream.linear.scatter [tilespmem:s25], [sflag:$0x5], $0x6400, $0x38;
	[tilespmem:$0x193A0] =	vst v63  }
0x44: {  	_ =	swait.ge [sflag:s12], $0x6400  }
0x45: {  	[sflag:s12] =	ssyncset.done $0x0  }
0x46: {  	[sflag:s12] =	ssyncadd.s32 $0xFFFF9C00  }
0x47: {  	_ =	swait.ge [sflag:s20], $0x190  }
0x48: {  	[sflag:s20] =	ssyncset.done $0x0  }
0x49: {  	[sflag:s20] =	ssyncadd.s32 $0xFFFFFE70  }
0x4a: {  	[tilespmem:s23], [sflag:$0x3] =	stream.indirect.gather [hbm4b:s1+s21], $0x40, s5, s21, $0xb8;
	[tilespmem:$0x193A0] =	vst v63  }
0x4b: {  	_ = 	snop  }
0x4c: {  	[tilespmem:s0], [sflag:$0x3] =	stream.indirect.gather [hbm4b:s1+s21], $0x40, s21, s21, $0xb8;
	[tilespmem:$0x193A0] =	vst v63  }
0x4d: {  	_ = 	snop  }
0x4e: {  	[tilespmem:s29], [sflag:$0x3] =	stream.indirect.gather [hbm4b:s1+s21], $0x40, s3, s21, $0xb8;
	[tilespmem:$0x193A0] =	vst v63  }
0x4f: {  	s9 =	simm.s32 $0x3F20;
	s8 =	simm.s32 $0xF0  }
0x50: {  	[tilespmem:s9], [sflag:$0x3] =	stream.indirect.gather [hbm4b:s1+s21], $0x40, s8, s21, $0xb8;
	[tilespmem:$0x193A0] =	vst v63  }
0x51: {  	s11 =	simm.s32 $0x5320;
	s6 =	simm.s32 $0x140  }
0x52: {  	[tilespmem:s11], [sflag:$0x3] =	stream.indirect.gather [hbm4b:s1+s21], $0x40, s6, s21, $0xb8;
	[tilespmem:$0x193A0] =	vst v63  }
0x53: {  	s9 =	rddreg [dreg:$0xb]  }
0x54: {  	[tilespmem:s19], [sflag:$0x2] =	stream.linear.gather [hbm4b:s9+s5], $0x190, $0x38;
	[tilespmem:$0x193A0] =	vst v63  }
0x55: {  	s11 =	rddreg [dreg:$0xc]  }
0x56: {  	[hbm4b:s11+s5] =	stream.linear.scatter [tilespmem:s24], [sflag:$0x6], $0x6400, $0x38;
	[tilespmem:$0x193A0] =	vst v63  }
0x57: {  	_ =	swait.ge [sflag:s31], $0x6400  }
0x58: {  	[sflag:s31] =	ssyncset.done $0x0  }
0x59: {  	[sflag:s31] =	ssyncadd.s32 $0xFFFF9C00  }
0x5a: {  	_ =	swait.ge [sflag:s2], $0x190  }
0x5b: {  	[sflag:s2] =	ssyncset.done $0x0  }
0x5c: {  	[sflag:s2] =	ssyncadd.s32 $0xFFFFFE70  }
0x5d: {  	[tilespmem:s4], [sflag:$0x4] =	stream.indirect.gather [hbm4b:s1+s21], $0x40, s19, s21, $0xb8;
	[tilespmem:$0x193A0] =	vst v63  }
0x5e: {  	_ = 	snop  }
0x5f: {  	[tilespmem:s17], [sflag:$0x4] =	stream.indirect.gather [hbm4b:s1+s21], $0x40, s7, s21, $0xb8;
	[tilespmem:$0x193A0] =	vst v63  }
0x60: {  	s17 =	simm.s32 $0x230  }
0x61: {  	[tilespmem:s22], [sflag:$0x4] =	stream.indirect.gather [hbm4b:s1+s21], $0x40, s17, s21, $0xb8;
	[tilespmem:$0x193A0] =	vst v63  }
0x62: {  	s22 =	rddreg [dreg:$0x5]  }
0x63: {  	[tilespmem:s28], [sflag:$0x4] =	stream.indirect.gather [hbm4b:s1+s21], $0x40, s13, s21, $0xb8;
	[tilespmem:$0x193A0] =	vst v63  }
0x64: {  	s15 =	sadd.s32 $0x0, s22  }
0x65: {  	[tilespmem:s30], [sflag:$0x4] =	stream.indirect.gather [hbm4b:s1+s21], $0x40, s26, s21, $0xb8;
	[tilespmem:$0x193A0] =	vst v63  }
0x66: {  	s13 =	sadd.s32 $0xC8, s15  }
0x67: {  	[tilespmem:s5], [sflag:$0x1] =	stream.linear.gather [hbm4b:s13+s5], $0x190, $0x38;
	[tilespmem:$0x193A0] =	vst v63  }
0x68: {  	_ =	swait.ge [sflag:s14], $0x6400  }
0x69: {  	[sflag:s14] =	ssyncset.done $0x0  }
0x6a: {  	s17 =	rddreg [dreg:$0xf];
	[sflag:s14] =	ssyncadd.s32 $0xFFFF9C00  }
0x6b: {  	[hbm4b:s17+s5] =	stream.linear.scatter [tilespmem:s25], [sflag:$0x5], $0x6400, $0x38;
	[tilespmem:$0x193A0] =	vst v63  }
0x6c: {  	_ =	swait.ge [sflag:s12], $0x6400  }
0x6d: {  	[sflag:s12] =	ssyncset.done $0x0  }
0x6e: {  	[sflag:s12] =	ssyncadd.s32 $0xFFFF9C00  }
0x6f: {  	_ =	swait.ge [sflag:s20], $0x190  }
0x70: {  	[sflag:s20] =	ssyncset.done $0x0  }
0x71: {  	s8 =	simm.s32 $0x280;
	s6 =	simm.s32 $0xB720;
	[sflag:s20] =	ssyncadd.s32 $0xFFFFFE70  }
0x72: {  	[tilespmem:s23], [sflag:$0x3] =	stream.indirect.gather [hbm4b:s1+s21], $0x40, s5, s21, $0xb8;
	[tilespmem:$0x193A0] =	vst v63  }
0x73: {  	s9 =	simm.s32 $0xA320;
	s11 =	simm.s32 $0x2D0;
	s4 =	simm.s32 $0x1E0  }
0x74: {  	[tilespmem:s0], [sflag:$0x3] =	stream.indirect.gather [hbm4b:s1+s21], $0x40, s21, s21, $0xb8;
	[tilespmem:$0x193A0] =	vst v63  }
0x75: {  	s7 =	simm.s32 $0x8F20;
	s22 =	simm.s32 $0x3F20;
	s28 =	simm.s32 $0x2B20  }
0x76: {  	[tilespmem:s29], [sflag:$0x3] =	stream.indirect.gather [hbm4b:s1+s21], $0x40, s3, s21, $0xb8;
	[tilespmem:$0x193A0] =	vst v63  }
0x77: {  	s15 =	sadd.s32 $0xFA, s15;
	s26 =	simm.s32 $0xA0;
	s23 =	simm.s32 $0xF0  }
0x78: {  	[tilespmem:s22], [sflag:$0x3] =	stream.indirect.gather [hbm4b:s1+s21], $0x40, s23, s21, $0xb8;
	[tilespmem:$0x193A0] =	vst v63  }
0x79: {  	s30 =	simm.s32 $0x3F20;
	s22 =	simm.s32 $0x140;
	s23 =	simm.s32 $0x5320  }
0x7a: {  	[tilespmem:s23], [sflag:$0x3] =	stream.indirect.gather [hbm4b:s1+s21], $0x40, s22, s21, $0xb8;
	[tilespmem:$0x193A0] =	vst v63  }
0x7b: {  	s13 =	simm.s32 $0xCB20;
	s25 =	simm.s32 $0x1720;
	s0 =	simm.s32 $0x140  }
0x7c: {  	[tilespmem:s19], [sflag:$0x2] =	stream.linear.gather [hbm4b:s15+s5], $0x190, $0x38;
	[tilespmem:$0x193A0] =	vst v63  }
0x7d: {  	s29 =	simm.s32 $0xF0;
	s3 =	simm.s32 $0x5320;
	_ =	swait.ge [sflag:s10], $0x6400  }
0x7e: {  	s22 =	sadd.s32 $0xC80, s17;
	s15 =	simm.s32 $0x64;
	[sflag:s10] =	ssyncset.done $0x0  }
.LBB2_2:
0x7f: {  	[sflag:s10] =	ssyncadd.s32 $0xFFFF9C00  }
0x80: {  	[hbm4b:s22+s5] =	stream.linear.scatter [tilespmem:s24], [sflag:$0x6], $0x6400, $0x38;
	[tilespmem:$0x193A0] =	vst v63  }
0x81: {  	_ =	swait.ge [sflag:s31], $0x6400  }
0x82: {  	[sflag:s31] =	ssyncset.done $0x0  }
0x83: {  	[sflag:s31] =	ssyncadd.s32 $0xFFFF9C00  }
0x84: {  	_ =	swait.ge [sflag:s2], $0x190  }
0x85: {  	[sflag:s2] =	ssyncset.done $0x0  }
0x86: {  	s23 =	simm.s32 $0x6720;
	[sflag:s2] =	ssyncadd.s32 $0xFFFFFE70  }
0x87: {  	[tilespmem:s23], [sflag:$0x4] =	stream.indirect.gather [hbm4b:s1+s21], $0x40, s19, s21, $0xb8;
	[tilespmem:$0x193A0] =	vst v63  }
0x88: {  	_ = 	snop  }
0x89: {  	[tilespmem:s16], [sflag:$0x4] =	stream.indirect.gather [hbm4b:s1+s21], $0x40, s4, s21, $0xb8;
	[tilespmem:$0x193A0] =	vst v63  }
0x8a: {  	_ = 	snop  }
0x8b: {  	[tilespmem:s7], [sflag:$0x4] =	stream.indirect.gather [hbm4b:s1+s21], $0x40, s18, s21, $0xb8;
	[tilespmem:$0x193A0] =	vst v63  }
0x8c: {  	s22 =	smov.u32 s15;
	s23 =	rddreg [dreg:$0x5]  }
0x8d: {  	[tilespmem:s9], [sflag:$0x4] =	stream.indirect.gather [hbm4b:s1+s21], $0x40, s8, s21, $0xb8;
	[tilespmem:$0x193A0] =	vst v63  }
0x8e: {  	s22 =	sadd.s32 s22, s23  }
0x8f: {  	[tilespmem:s6], [sflag:$0x4] =	stream.indirect.gather [hbm4b:s1+s21], $0x40, s11, s21, $0xb8;
	[tilespmem:$0x193A0] =	vst v63  }
0x90: {  	s23 =	sadd.s32 $0xC8, s22  }
0x91: {  	[tilespmem:s5], [sflag:$0x1] =	stream.linear.gather [hbm4b:s23+s5], $0x190, $0x38;
	[tilespmem:$0x193A0] =	vst v63  }
0x92: {  	_ =	swait.ge [sflag:s14], $0x6400  }
0x93: {  	[sflag:s14] =	ssyncset.done $0x0  }
0x94: {  	s17 =	sadd.s32 $0x1900, s17;
	[sflag:s14] =	ssyncadd.s32 $0xFFFF9C00  }
0x95: {  	[hbm4b:s17+s5] =	stream.linear.scatter [tilespmem:s13], [sflag:$0x5], $0x6400, $0x38;
	[tilespmem:$0x193A0] =	vst v63  }
0x96: {  	_ =	swait.ge [sflag:s12], $0x6400  }
0x97: {  	[sflag:s12] =	ssyncset.done $0x0  }
0x98: {  	[sflag:s12] =	ssyncadd.s32 $0xFFFF9C00  }
0x99: {  	_ =	swait.ge [sflag:s20], $0x190  }
0x9a: {  	[sflag:s20] =	ssyncset.done $0x0  }
0x9b: {  	s23 =	simm.s32 $0x320;
	[sflag:s20] =	ssyncadd.s32 $0xFFFFFE70  }
0x9c: {  	[tilespmem:s23], [sflag:$0x3] =	stream.indirect.gather [hbm4b:s1+s21], $0x40, s5, s21, $0xb8;
	[tilespmem:$0x193A0] =	vst v63  }
0x9d: {  	_ = 	snop  }
0x9e: {  	[tilespmem:s25], [sflag:$0x3] =	stream.indirect.gather [hbm4b:s1+s21], $0x40, s21, s21, $0xb8;
	[tilespmem:$0x193A0] =	vst v63  }
0x9f: {  	_ = 	snop  }
0xa0: {  	[tilespmem:s28], [sflag:$0x3] =	stream.indirect.gather [hbm4b:s1+s21], $0x40, s26, s21, $0xb8;
	[tilespmem:$0x193A0] =	vst v63  }
0xa1: {  	_ = 	snop  }
0xa2: {  	[tilespmem:s30], [sflag:$0x3] =	stream.indirect.gather [hbm4b:s1+s21], $0x40, s29, s21, $0xb8;
	[tilespmem:$0x193A0] =	vst v63  }
0xa3: {  	p0 =	sne.s32 s15, $0xB54  }
0xa4: {  	[tilespmem:s3], [sflag:$0x3] =	stream.indirect.gather [hbm4b:s1+s21], $0x40, s0, s21, $0xb8;
	[tilespmem:$0x193A0] =	vst v63  }
.Ltmp0:
0xa5: {  	_ = 	snop;
	(pc) =	sbr.rel @p0 .LBB2_2-.Ltmp0, $4  }
0xa6: {  	s22 =	sadd.s32 $0xFA, s22  }
0xa7: {  	[tilespmem:s19], [sflag:$0x2] =	stream.linear.gather [hbm4b:s22+s5], $0x190, $0x38;
	[tilespmem:$0x193A0] =	vst v63  }
0xa8: {  	_ =	swait.ge [sflag:s10], $0x6400  }
0xa9: {  	s15 =	sadd.s32 $0x64, s15;
	s22 =	sadd.s32 $0xC80, s17;
	[sflag:s10] =	ssyncset.done $0x0  }
0xaa: {  	[sflag:s10] =	ssyncadd.s32 $0xFFFF9C00;
	s0 =	simm.s32 $0x12F20  }
0xab: {  	[hbm4b:s22+s5] =	stream.linear.scatter [tilespmem:s0], [sflag:$0x6], $0x6400, $0x38;
	[tilespmem:$0x193A0] =	vst v63  }
0xac: {  	_ =	swait.ge [sflag:s31], $0x6400  }
0xad: {  	[sflag:s31] =	ssyncset.done $0x0  }
0xae: {  	[sflag:s31] =	ssyncadd.s32 $0xFFFF9C00  }
0xaf: {  	_ =	swait.ge [sflag:s2], $0x190  }
0xb0: {  	[sflag:s2] =	ssyncset.done $0x0  }
0xb1: {  	s3 =	simm.s32 $0x6720;
	[sflag:s2] =	ssyncadd.s32 $0xFFFFFE70  }
0xb2: {  	[tilespmem:s3], [sflag:$0x4] =	stream.indirect.gather [hbm4b:s1+s21], $0x40, s19, s21, $0xb8;
	[tilespmem:$0x193A0] =	vst v63  }
0xb3: {  	_ = 	snop  }
0xb4: {  	[tilespmem:s16], [sflag:$0x4] =	stream.indirect.gather [hbm4b:s1+s21], $0x40, s4, s21, $0xb8;
	[tilespmem:$0x193A0] =	vst v63  }
0xb5: {  	_ = 	snop  }
0xb6: {  	[tilespmem:s7], [sflag:$0x4] =	stream.indirect.gather [hbm4b:s1+s21], $0x40, s18, s21, $0xb8;
	[tilespmem:$0x193A0] =	vst v63  }
0xb7: {  	_ = 	snop  }
0xb8: {  	[tilespmem:s9], [sflag:$0x4] =	stream.indirect.gather [hbm4b:s1+s21], $0x40, s8, s21, $0xb8;
	[tilespmem:$0x193A0] =	vst v63  }
0xb9: {  	_ = 	snop  }
0xba: {  	[tilespmem:s6], [sflag:$0x4] =	stream.indirect.gather [hbm4b:s1+s21], $0x40, s11, s21, $0xb8;
	[tilespmem:$0x193A0] =	vst v63  }
0xbb: {  	_ =	swait.ge [sflag:s14], $0x6400  }
0xbc: {  	[sflag:s14] =	ssyncset.done $0x0  }
0xbd: {  	s15 =	rddreg [dreg:$0xd];
	[sflag:s14] =	ssyncadd.s32 $0xFFFF9C00  }
0xbe: {  	[hbm4b:s15+s5] =	stream.linear.scatter [tilespmem:s13], [sflag:$0x5], $0x6400, $0x38;
	[tilespmem:$0x193A0] =	vst v63  }
0xbf: {  	_ =	swait.ge [sflag:s12], $0x6400  }
0xc0: {  	[sflag:s12] =	ssyncset.done $0x0  }
0xc1: {  	[sflag:s12] =	ssyncadd.s32 $0xFFFF9C00  }
0xc2: {  	_ =	swait.ge [sflag:s10], $0x6400  }
0xc3: {  	[sflag:s10] =	ssyncset.done $0x0  }
0xc4: {  	s28 =	rddreg [dreg:$0xe];
	[sflag:s10] =	ssyncadd.s32 $0xFFFF9C00  }
0xc5: {  	[hbm4b:s28+s5] =	stream.linear.scatter [tilespmem:s0], [sflag:$0x6], $0x6400, $0x38;
	[tilespmem:$0x193A0] =	vst v63  }
0xc6: {  	_ =	swait.ge [sflag:s14], $0x6400  }
0xc7: {  	[sflag:s14] =	ssyncset.done $0x0  }
0xc8: {  	[sflag:s14] =	ssyncadd.s32 $0xFFFF9C00  }
0xc9: {  	_ =	swait.ge [sflag:s10], $0x6400  }
0xca: {  	s29 =	rddreg [dreg:$0x10]  }
0xcb: {  	s30 =	rddreg [dreg:$0x8];
	s0 =	sadd.s32 $0x1, s29  }
0xcc: {  	p0 =	sne.s32 s0, s30  }
.Ltmp1:
0xcd: {  	_ = 	snop;
	(pc) =	sbr.rel @p0 .LBB2_1-.Ltmp1, $3  }
0xce: {  	_ =	sdelay $0x1  }
0xcf: {  	[sflag:s10] =	ssyncset.done $0x0  }
0xd0: {  	s24 =	simm.s32 $0x12F20;
	[sflag:s10] =	ssyncadd.s32 $0xFFFF9C00  }
0xd1: {  	_ =	sfence.sel $0x180000  }
0xd2: {  	[bflag:$0x0] =	sbarrier.arrive $0xFFFF  }
0xd3: {  	_ =	strace $0x90000047  }
0xd4: {  	s0 =	stileid.u32;
	[bflag:$0x2] =	sbarrier.arrive $0xFFFF  }
0xd5: {  	p0 =	sne.s32 s0, $0x0;
	s0 =	rddreg [dreg:$0x4]  }
0xd6: {  	s0 =	sadd.s32 @!p0 $0x100000, s0  }
0xd7: {  	[sflag:s0] =	ssyncadd.tile.s32 @!p0 $0x1;
	_ =	shalt  }
.Lfunc_end2:
_tile_overlayer_lowered:
.L_overlay_start_2:
0xd8: {  	(tag) =	ssettag $0x2  }
0xd9: {  	s0 =	rddreg [dreg:$0x0];
	s2 =	stileid.u32  }
0xda: {  	s1 =	rddreg [dreg:$0x1];
	p0 =	sne.s32 s2, $0x0  }
0xdb: {  	s3 =	rddreg [dreg:$0x2];
	[bflag:$0x3] =	sbarrier.arrive $0xFFFF;
	s2 =	simm.s32 @!p0 $0x1C07  }
0xdc: {  	[timem:s3], [sflag:s2] =	dma.local @!p0 [hbm:s0], s1  }
0xdd: {  	s0 =	simm.s32 @!p0 $0x7  }
0xde: {  	_ =	swait.ge @!p0 [sflag:s0], s1  }
0xdf: {  	s1 =	ssub.s32 @!p0 $0x0, s1;
	[sflag:s0] =	ssyncset.done @!p0 $0x0  }
0xe0: {  	[sflag:s0] =	ssyncadd.s32 @!p0 s1  }
0xe1: {  	[bflag:$0x3] =	sbarrier.arrive $0xFFFF  }
0xe2: {  	_ =	shalt  }

</sc_bundles>
